<compile_context>
chip_gen: v7x
topology: tpu7x:2x2x1
jax: 0.10.2.dev20260603
libtpu: 0.0.44.dev20260713+nightly
codegen_flags: <defaults>
</compile_context>

<pallas_src>
import functools

import jax
import jax.numpy as jnp
from jax import lax
from jax.experimental import pallas as pl
from jax.experimental.pallas import tpu as pltpu
from jax.experimental.pallas import tpu_sc as plsc

_FEATURES = ["restaurants", "user_rating", "artgallery", "beaches", "mall",
             "museums", "parks", "pubs_bars", "resorts", "theatres", "zoo"]
_NF = len(_FEATURES)
_BATCH = 16384
_EMB = 32
_NB = 100
_LANES = 128
_BLK = 1024
_NC, _NS = 2, 16
_NW = _NC * _NS
_BPW = _BATCH // _NW
_WIDTH = _EMB + _NF * (_EMB + 1)


def _sc_gather_body(nusers, uid_hbm, table_hbm, out_hbm, idx_flat, rows_v, sem):
    wid = lax.axis_index("s") * _NC + lax.axis_index("c")
    pltpu.sync_copy(uid_hbm.at[wid], idx_flat)

    @pl.loop(0, _BPW // 16)
    def _lookup_idx(i):
        u = idx_flat[pl.ds(i * 16, 16)]
        ok = (u >= 0) & (u < nusers)
        idx_flat[pl.ds(i * 16, 16)] = jnp.where(ok, u + 1, 0)

    pltpu.async_copy(table_hbm.at[idx_flat], rows_v, sem).wait()
    pltpu.sync_copy(rows_v, out_hbm.at[pl.ds(wid * _BPW, _BPW)])


def _sc_gather(user_id, user_table):
    nusers = user_table.shape[0] - 1
    mesh = plsc.VectorSubcoreMesh(core_axis_name="c", subcore_axis_name="s")
    fn = pl.kernel(
        functools.partial(_sc_gather_body, nusers),
        mesh=mesh,
        compiler_params=pltpu.CompilerParams(use_tc_tiling_on_sc=False),
        out_type=jax.ShapeDtypeStruct((_BATCH, _EMB), jnp.float32),
        scratch_types=[
            pltpu.VMEM((_BPW,), jnp.int32),
            pltpu.VMEM((_BPW, _EMB), jnp.float32),
            pltpu.SemaphoreType.DMA,
        ],
    )
    return fn(user_id.reshape(_NW, _BPW), user_table)


_NBUF = 8


def _tc_body(user_ref, x_ref, tpad_ref, lo_ref, hi_ref, ab_ref,
             out_hbm, scratch, sems):
    g = pl.program_id(0)
    ng = pl.num_programs(0)
    buf = lax.rem(g, _NBUF)
    dst = out_hbm.at[pl.ds(g * _BLK, _BLK), :]

    @pl.when(g >= _NBUF)
    def _wait_prev():
        pltpu.make_async_copy(scratch.at[buf], dst, sems.at[buf]).wait()

    xv = x_ref[...]
    norms = xv * ab_ref[0:1, :] + ab_ref[1:2, :]
    parts = [user_ref[...]]
    for f in range(_NF):
        xc = xv[:, f:f + 1]
        oh = ((xc >= lo_ref[f:f + 1, :]) &
              (xc < hi_ref[f:f + 1, :])).astype(jnp.bfloat16)
        emb = jnp.dot(oh, tpad_ref[f], preferred_element_type=jnp.float32)
        parts.append(emb)
        parts.append(norms[:, f:f + 1])
    scratch[buf] = jnp.concatenate(parts, axis=1)
    pltpu.make_async_copy(scratch.at[buf], dst, sems.at[buf]).start()

    @pl.when(g == ng - 1)
    def _drain():
        for k in range(_NBUF):
            pltpu.make_async_copy(scratch.at[k], dst, sems.at[k]).wait()


def kernel(user_id, user_vocab, user_table,
           restaurants, restaurants_table, restaurants_bnd, restaurants_mean, restaurants_var,
           user_rating, user_rating_table, user_rating_bnd, user_rating_mean, user_rating_var,
           artgallery, artgallery_table, artgallery_bnd, artgallery_mean, artgallery_var,
           beaches, beaches_table, beaches_bnd, beaches_mean, beaches_var,
           mall, mall_table, mall_bnd, mall_mean, mall_var,
           museums, museums_table, museums_bnd, museums_mean, museums_var,
           parks, parks_table, parks_bnd, parks_mean, parks_var,
           pubs_bars, pubs_bars_table, pubs_bars_bnd, pubs_bars_mean, pubs_bars_var,
           resorts, resorts_table, resorts_bnd, resorts_mean, resorts_var,
           theatres, theatres_table, theatres_bnd, theatres_mean, theatres_var,
           zoo, zoo_table, zoo_bnd, zoo_mean, zoo_var):
    env = dict(locals())
    xs = [env[n] for n in _FEATURES]
    tables = [env[n + "_table"] for n in _FEATURES]
    bnds = [env[n + "_bnd"] for n in _FEATURES]
    means = [env[n + "_mean"] for n in _FEATURES]
    variances = [env[n + "_var"] for n in _FEATURES]

    user_rows = _sc_gather(user_id, user_table)

    X = jnp.stack(xs, axis=1)
    tpad = jnp.stack([jnp.pad(t, ((0, _LANES - t.shape[0]), (0, 0)))
                      for t in tables]).astype(jnp.bfloat16)
    inf = jnp.full((_LANES - _NB - 1,), jnp.inf, jnp.float32)
    lo = jnp.stack([jnp.concatenate([jnp.array([-jnp.inf], jnp.float32), b, inf])
                    for b in bnds])
    hi = jnp.stack([jnp.concatenate([b, jnp.full((_LANES - _NB,), jnp.inf, jnp.float32)])
                    for b in bnds])
    a = 1.0 / jnp.sqrt(jnp.stack(variances))
    ab = jnp.stack([a, -jnp.stack(means) * a])

    grid = (_BATCH // _BLK,)
    return pl.pallas_call(
        _tc_body,
        grid=grid,
        in_specs=[
            pl.BlockSpec((_BLK, _EMB), lambda i: (i, 0)),
            pl.BlockSpec((_BLK, _NF), lambda i: (i, 0)),
            pl.BlockSpec((_NF, _LANES, _EMB), lambda i: (0, 0, 0)),
            pl.BlockSpec((_NF, _LANES), lambda i: (0, 0)),
            pl.BlockSpec((_NF, _LANES), lambda i: (0, 0)),
            pl.BlockSpec((2, _NF), lambda i: (0, 0)),
        ],
        out_specs=pl.BlockSpec(memory_space=pl.ANY),
        out_shape=jax.ShapeDtypeStruct((_BATCH, _WIDTH), jnp.float32),
        scratch_shapes=[
            pltpu.VMEM((_NBUF, _BLK, _WIDTH), jnp.float32),
            pltpu.SemaphoreType.DMA((_NBUF,)),
        ],
    )(user_rows, X, tpad, lo, hi, ab)

# --- scband reference (transcript-rebuilt; emitter-appended) ---
"""Pipeline reference for scband-user-model-23776938951442 (READ-ONLY COPY).

The authoritative reference and input builder live on the scoring server;
editing this copy changes nothing except your own understanding.
"""

import jax, jax.numpy as jnp
import numpy as np

FEATURES = ["restaurants", "user_rating", "artgallery", "beaches", "mall", "museums", "parks", "pubs_bars", "resorts", "theatres", "zoo"]
NUM_USERS = 100000
NUM_BUCKETS = 100
EMB = 32
BATCH = 16384


def setup_inputs(seed: int = 0) -> dict:
    key = jax.random.key(seed)
    inp = {}
    k, key = jax.random.split(key)
    inp["user_id"] = jax.random.randint(k, (BATCH,), 0, NUM_USERS, dtype=jnp.int32)
    inp["user_vocab"] = jnp.arange(NUM_USERS, dtype=jnp.int32)
    k, key = jax.random.split(key)
    inp["user_table"] = jax.random.normal(k, (NUM_USERS + 1, EMB), dtype=jnp.float32) * 0.05
    for name in FEATURES:
        k1, k2, k3, key = jax.random.split(key, 4)
        inp[name] = jax.random.uniform(k1, (BATCH,), dtype=jnp.float32)
        inp[name + "_table"] = jax.random.normal(k2, (NUM_BUCKETS + 1, EMB), dtype=jnp.float32) * 0.05
        inp[name + "_bnd"] = jnp.sort(jax.random.uniform(k3, (NUM_BUCKETS,), dtype=jnp.float32))
        inp[name + "_mean"] = jnp.array(0.5, dtype=jnp.float32)
        inp[name + "_var"] = jnp.array(1.0 / 12.0, dtype=jnp.float32)
    return inp


def _forward(user_id, user_vocab, feats):
    # IntegerLookup(vocabulary=arange(N), mask_token=None): OOV -> 0, vocab item i -> i+1
    n = user_vocab.shape[0]
    pos = jnp.searchsorted(user_vocab, user_id)
    posc = jnp.clip(pos, 0, n - 1)
    found = (user_vocab[posc] == user_id) & (pos < n)
    uidx = jnp.where(found, posc + 1, 0)
    parts = [jnp.take(feats["user_table"], uidx, axis=0)]
    for name in FEATURES:
        x = feats[name]
        # Discretization: tf Bucketize semantics -> searchsorted side='right'
        b = jnp.searchsorted(feats[name + "_bnd"], x, side="right")
        parts.append(jnp.take(feats[name + "_table"], b, axis=0))
        norm = (x - feats[name + "_mean"]) / jnp.sqrt(feats[name + "_var"])
        parts.append(norm.reshape(-1, 1))
    return jnp.concatenate(parts, axis=1)


def reference(user_id, user_vocab, user_table,
              restaurants, restaurants_table, restaurants_bnd, restaurants_mean, restaurants_var,
              user_rating, user_rating_table, user_rating_bnd, user_rating_mean, user_rating_var,
              artgallery, artgallery_table, artgallery_bnd, artgallery_mean, artgallery_var,
              beaches, beaches_table, beaches_bnd, beaches_mean, beaches_var,
              mall, mall_table, mall_bnd, mall_mean, mall_var,
              museums, museums_table, museums_bnd, museums_mean, museums_var,
              parks, parks_table, parks_bnd, parks_mean, parks_var,
              pubs_bars, pubs_bars_table, pubs_bars_bnd, pubs_bars_mean, pubs_bars_var,
              resorts, resorts_table, resorts_bnd, resorts_mean, resorts_var,
              theatres, theatres_table, theatres_bnd, theatres_mean, theatres_var,
              zoo, zoo_table, zoo_bnd, zoo_mean, zoo_var):
    inp = dict(locals())
    user_id = inp["user_id"]
    user_vocab = inp["user_vocab"]
    feats = {k: v for k, v in inp.items() if k not in ("user_id", "user_vocab")}
    return _forward(user_id, user_vocab, feats)

if __name__ == "__main__":
    import jax
    _d = setup_inputs()
    print(jax.jit(kernel)(*tuple(_d.values())))

</pallas_src>

<mosaic_0001>
#map = affine_map<(d0, d1) -> (0, 0)>
module attributes {stable_mosaic.version = 14 : i64} {
  func.func @_sc_gather_body(%arg0: i32, %arg1: i32, %arg2: memref<32x512xi32, #tpu.memory_space<hbm>>, %arg3: memref<100001x32xf32, #tpu.memory_space<hbm>>, %arg4: memref<16384x32xf32, #tpu.memory_space<hbm>>, %arg5: memref<512xi32, #tpu.memory_space<vmem>>, %arg6: memref<512x32xf32, #tpu.memory_space<vmem>>, %arg7: memref<!tpu.dma_semaphore, #tpu.memory_space<semaphore_mem>>) attributes {dimension_semantics = [#tpu.dimension_semantics<core_parallel>, #tpu.dimension_semantics<subcore_parallel>], iteration_bounds = array<i64: 2, 16>, scalar_prefetch = 0 : i64, scratch_operands = 3 : i64, tpu.core_type = #tpu.core_type<sc_vector_subcore>, window_params = [{transform_indices = #map}, {transform_indices = #map}, {transform_indices = #map}]} {
    %mul3A = arith.constant 2 : i32
    %mul3A_0 = arith.muli %arg1, %mul3A : i32
    %add3A = arith.addi %mul3A_0, %arg0 : i32
    "tpu.region"() ({
      %run_scoped3A = tpu.sem_alloc : memref<!tpu.dma_semaphore, #tpu.memory_space<semaphore_mem>>
      %dma_start3A_11 = arith.constant 0 : i32
      %dma_start3A_12 = tpu.memref_slice %arg2[%add3A, %dma_start3A_11] : memref<32x512xi32, #tpu.memory_space<hbm>> -> memref<1x512xi32, #tpu.memory_space<hbm>>
      %dma_start3A_13 = tpu.memref_squeeze %dma_start3A_12 : memref<1x512xi32, #tpu.memory_space<hbm>> -> memref<512xi32, #tpu.memory_space<hbm>>
      %dma_start3A_14 = arith.constant 0 : i32
      %dma_start3A_15 = tpu.memref_slice %arg2[%add3A, %dma_start3A_14] : memref<32x512xi32, #tpu.memory_space<hbm>> -> memref<1x512xi32, #tpu.memory_space<hbm>>
      %dma_start3A_16 = tpu.memref_squeeze %dma_start3A_15 : memref<1x512xi32, #tpu.memory_space<hbm>> -> memref<512xi32, #tpu.memory_space<hbm>>
      tpu.enqueue_dma source(%dma_start3A_16 : memref<512xi32, #tpu.memory_space<hbm>>) target(%arg5 : memref<512xi32, #tpu.memory_space<vmem>>) target_semaphore(%run_scoped3A : memref<!tpu.dma_semaphore, #tpu.memory_space<semaphore_mem>>)
      %dma_wait3A_17 = arith.constant 0 : i32
      %dma_wait3A_18 = tpu.memref_slice %arg2[%add3A, %dma_wait3A_17] : memref<32x512xi32, #tpu.memory_space<hbm>> -> memref<1x512xi32, #tpu.memory_space<hbm>>
      %dma_wait3A_19 = tpu.memref_squeeze %dma_wait3A_18 : memref<1x512xi32, #tpu.memory_space<hbm>> -> memref<512xi32, #tpu.memory_space<hbm>>
      %dma_wait3A_20 = arith.constant 0 : i32
      %dma_wait3A_21 = tpu.memref_slice %arg2[%add3A, %dma_wait3A_20] : memref<32x512xi32, #tpu.memory_space<hbm>> -> memref<1x512xi32, #tpu.memory_space<hbm>>
      %dma_wait3A_22 = tpu.memref_squeeze %dma_wait3A_21 : memref<1x512xi32, #tpu.memory_space<hbm>> -> memref<512xi32, #tpu.memory_space<hbm>>
      tpu.wait_dma2 semaphore(%run_scoped3A : memref<!tpu.dma_semaphore, #tpu.memory_space<semaphore_mem>>) src(%dma_wait3A_22 : memref<512xi32, #tpu.memory_space<hbm>>) dst(%arg5 : memref<512xi32, #tpu.memory_space<vmem>>)
      tpu.yield
    }) : () -> ()
    %scan3A = arith.constant 0 : i32
    %scan3A_1 = arith.constant 32 : i32
    %scan3A_2 = arith.addi %scan3A, %scan3A_1 : i32
    %scan3A_3 = arith.constant 1 : i32
    scf.for %scan3A_11 = %scan3A to %scan3A_2 step %scan3A_3  : i32 {
      %mul3A_12 = arith.constant 1 : i32
      %mul3A_13 = arith.muli %scan3A_11, %mul3A_12 : i32
      %add3A_14 = arith.constant 0 : i32
      %add3A_15 = arith.addi %add3A_14, %mul3A_13 : i32
      %mul3A_16 = arith.constant 16 : i32
      %mul3A_17 = arith.muli %add3A_15, %mul3A_16 : i32
      %get3A = arith.index_cast %mul3A_17 : i32 to index
      %get3A_18 = tpu.vector_load %arg5[%get3A] {strides = array<i32>} : memref<512xi32, #tpu.memory_space<vmem>>, vector<16xi32>,
      %get3A_19 = vector.shape_cast %get3A_18 : vector<16xi32> to vector<16xi32>
      %ge3A = arith.constant 0 : i32
      %ge3A_20 = vector.broadcast %ge3A : i32 to vector<16xi32>
      %ge3A_21 = arith.cmpi sge, %get3A_19, %ge3A_20 : vector<16xi32>
      %lt3A = arith.constant 100000 : i32
      %lt3A_22 = vector.broadcast %lt3A : i32 to vector<16xi32>
      %lt3A_23 = arith.cmpi slt, %get3A_19, %lt3A_22 : vector<16xi32>
      %and3A = arith.andi %ge3A_21, %lt3A_23 : vector<16xi1>
      %add3A_24 = arith.constant 1 : i32
      %add3A_25 = vector.broadcast %add3A_24 : i32 to vector<16xi32>
      %add3A_26 = arith.addi %get3A_19, %add3A_25 : vector<16xi32>
      %jit3A = arith.constant 0 : i32
      %broadcast_in_dim3A = vector.broadcast %jit3A : i32 to vector<16xi32>
      %select_n3A = arith.select %and3A, %add3A_26, %broadcast_in_dim3A : vector<16xi1>, vector<16xi32>
      %mul3A_27 = arith.constant 16 : i32
      %mul3A_28 = arith.muli %add3A_15, %mul3A_27 : i32
      %swap3A = arith.index_cast %mul3A_28 : i32 to index
      %swap3A_29 = tpu.vector_load %arg5[%swap3A] {strides = array<i32>} : memref<512xi32, #tpu.memory_space<vmem>>, vector<16xi32>,
      %swap3A_30 = vector.shape_cast %swap3A_29 : vector<16xi32> to vector<16xi32>
      %swap3A_31 = vector.shape_cast %select_n3A : vector<16xi32> to vector<16xi32>
      tpu.vector_store %arg5[%swap3A], %swap3A_31 {strides = array<i32>} : memref<512xi32, #tpu.memory_space<vmem>>, vector<16xi32>,
    }
    %scan3A_4 = arith.constant 32 : i32
    %dma_start3A = arith.constant 0 : i32
    %dma_start3A_5 = arith.constant 0 : i32
    %dma_start3A_6 = tpu.memref_slice %arg3[%dma_start3A, %dma_start3A_5] : memref<100001x32xf32, #tpu.memory_space<hbm>> -> memref<100001x32xf32, #tpu.memory_space<hbm>>
    tpu.enqueue_indirect_dma source(%dma_start3A_6 : memref<100001x32xf32, #tpu.memory_space<hbm>>) target(%arg6 : memref<512x32xf32, #tpu.memory_space<vmem>>) offsets(%arg5 : memref<512xi32, #tpu.memory_space<vmem>>) semaphore(%arg7 : memref<!tpu.dma_semaphore, #tpu.memory_space<semaphore_mem>>)
    %dma_wait3A = arith.constant 0 : i32
    %dma_wait3A_7 = arith.constant 0 : i32
    %dma_wait3A_8 = tpu.memref_slice %arg3[%dma_wait3A, %dma_wait3A_7] : memref<100001x32xf32, #tpu.memory_space<hbm>> -> memref<100001x32xf32, #tpu.memory_space<hbm>>
    tpu.wait_indirect_dma semaphore(%arg7 : memref<!tpu.dma_semaphore, #tpu.memory_space<semaphore_mem>>) src(%dma_wait3A_8 : memref<100001x32xf32, #tpu.memory_space<hbm>>) dst(%arg6 : memref<512x32xf32, #tpu.memory_space<vmem>>)
    %mul3A_9 = arith.constant 512 : i32
    %mul3A_10 = arith.muli %add3A, %mul3A_9 : i32
    "tpu.region"() ({
      %run_scoped3A = tpu.sem_alloc : memref<!tpu.dma_semaphore, #tpu.memory_space<semaphore_mem>>
      %dma_start3A_11 = arith.constant 0 : i32
      %dma_start3A_12 = tpu.memref_slice %arg4[%mul3A_10, %dma_start3A_11] : memref<16384x32xf32, #tpu.memory_space<hbm>> -> memref<512x32xf32, #tpu.memory_space<hbm>>
      %dma_start3A_13 = arith.constant 0 : i32
      %dma_start3A_14 = tpu.memref_slice %arg4[%mul3A_10, %dma_start3A_13] : memref<16384x32xf32, #tpu.memory_space<hbm>> -> memref<512x32xf32, #tpu.memory_space<hbm>>
      tpu.enqueue_dma source(%arg6 : memref<512x32xf32, #tpu.memory_space<vmem>>) target(%dma_start3A_14 : memref<512x32xf32, #tpu.memory_space<hbm>>) target_semaphore(%run_scoped3A : memref<!tpu.dma_semaphore, #tpu.memory_space<semaphore_mem>>)
      %dma_wait3A_15 = arith.constant 0 : i32
      %dma_wait3A_16 = tpu.memref_slice %arg4[%mul3A_10, %dma_wait3A_15] : memref<16384x32xf32, #tpu.memory_space<hbm>> -> memref<512x32xf32, #tpu.memory_space<hbm>>
      %dma_wait3A_17 = arith.constant 0 : i32
      %dma_wait3A_18 = tpu.memref_slice %arg4[%mul3A_10, %dma_wait3A_17] : memref<16384x32xf32, #tpu.memory_space<hbm>> -> memref<512x32xf32, #tpu.memory_space<hbm>>
      tpu.wait_dma2 semaphore(%run_scoped3A : memref<!tpu.dma_semaphore, #tpu.memory_space<semaphore_mem>>) src(%arg6 : memref<512x32xf32, #tpu.memory_space<vmem>>) dst(%dma_wait3A_18 : memref<512x32xf32, #tpu.memory_space<hbm>>)
      tpu.yield
    }) : () -> ()
    return
  }
}

module attributes {stable_mosaic.version = 14 : i64} {
  func.func @_tc_body(%arg0: i32, %arg1: memref<1024x32xf32, #tpu.memory_space<vmem>>, %arg2: memref<1024x11xf32, #tpu.memory_space<vmem>>, %arg3: memref<11x128x32xbf16, #tpu.memory_space<vmem>>, %arg4: memref<11x128xf32, #tpu.memory_space<vmem>>, %arg5: memref<11x128xf32, #tpu.memory_space<vmem>>, %arg6: memref<2x11xf32, #tpu.memory_space<vmem>>, %arg7: memref<16384x395xf32, #tpu.memory_space<any>>, %arg8: memref<8x1024x395xf32, #tpu.memory_space<vmem>>, %arg9: memref<8x!tpu.dma_semaphore, #tpu.memory_space<semaphore_mem>>) attributes {dimension_semantics = [#tpu.dimension_semantics<arbitrary>], iteration_bounds = array<i64: 16>, scalar_prefetch = 0 : i64, scratch_operands = 2 : i64, tpu.core_type = #tpu.core_type<tc>, window_params = [{transform_indices = @transform_0, window_bounds = array<i64: 1024, 32>}, {transform_indices = @transform_1, window_bounds = array<i64: 1024, 11>}, {pipeline_mode = #tpu.pipeline_mode<synchronous>, transform_indices = @transform_2, window_bounds = array<i64: 11, 128, 32>}, {pipeline_mode = #tpu.pipeline_mode<synchronous>, transform_indices = @transform_3, window_bounds = array<i64: 11, 128>}, {pipeline_mode = #tpu.pipeline_mode<synchronous>, transform_indices = @transform_4, window_bounds = array<i64: 11, 128>}, {pipeline_mode = #tpu.pipeline_mode<synchronous>, transform_indices = @transform_5, window_bounds = array<i64: 2, 11>}, {}]} {
    %rem3A = arith.constant 8 : i32
    %rem3A_0 = arith.remsi %arg0, %rem3A : i32
    %mul3A = arith.constant 1024 : i32
    %mul3A_1 = arith.muli %arg0, %mul3A : i32
    %ge3A = arith.constant 8 : i32
    %ge3A_2 = arith.cmpi sge, %arg0, %ge3A : i32
    %convert_element_type3A = arith.extui %ge3A_2 : i1 to i32
    %cond3A = arith.constant 0 : i32
    %cond3A_3 = arith.cmpi ne, %convert_element_type3A, %cond3A : i32
    scf.if %cond3A_3 {
      %dma_wait3A = tpu.memref_slice %arg9[%rem3A_0] : memref<8x!tpu.dma_semaphore, #tpu.memory_space<semaphore_mem>> -> memref<1x!tpu.dma_semaphore, #tpu.memory_space<semaphore_mem>>
      %dma_wait3A_305 = tpu.memref_squeeze %dma_wait3A : memref<1x!tpu.dma_semaphore, #tpu.memory_space<semaphore_mem>> -> memref<!tpu.dma_semaphore, #tpu.memory_space<semaphore_mem>>
      %dma_wait3A_306 = arith.constant 0 : i32
      %dma_wait3A_307 = tpu.memref_slice %arg7[%mul3A_1, %dma_wait3A_306] : memref<16384x395xf32, #tpu.memory_space<any>> -> memref<1024x395xf32, #tpu.memory_space<any>>
      %dma_wait3A_308 = arith.constant 0 : i32
      %dma_wait3A_309 = arith.constant 0 : i32
      %dma_wait3A_310 = tpu.memref_slice %arg8[%rem3A_0, %dma_wait3A_308, %dma_wait3A_309] : memref<8x1024x395xf32, #tpu.memory_space<vmem>> -> memref<1x1024x395xf32, #tpu.memory_space<vmem>>
      %dma_wait3A_311 = tpu.memref_squeeze %dma_wait3A_310 : memref<1x1024x395xf32, #tpu.memory_space<vmem>> -> memref<1024x395xf32, #tpu.memory_space<vmem>>
      tpu.wait_dma2 semaphore(%dma_wait3A_305 : memref<!tpu.dma_semaphore, #tpu.memory_space<semaphore_mem>>) src(%dma_wait3A_311 : memref<1024x395xf32, #tpu.memory_space<vmem>>) dst(%dma_wait3A_307 : memref<1024x395xf32, #tpu.memory_space<any>>)
    } else {
    }
    %get3A = arith.constant 0 : index
    %get3A_4 = arith.constant 0 : index
    %get3A_5 = vector.load %arg2[%get3A, %get3A_4] : memref<1024x11xf32, #tpu.memory_space<vmem>>, vector<1024x11xf32>
    %get3A_6 = arith.constant 0 : index
    %get3A_7 = arith.constant 0 : index
    %get3A_8 = vector.load %arg6[%get3A_6, %get3A_7] : memref<2x11xf32, #tpu.memory_space<vmem>>, vector<1x11xf32>
    %mul3A_9 = vector.broadcast %get3A_8 : vector<1x11xf32> to vector<1024x11xf32>
    %mul3A_10 = arith.mulf %get3A_5, %mul3A_9 : vector<1024x11xf32>
    %get3A_11 = arith.constant 1 : index
    %get3A_12 = arith.constant 0 : index
    %get3A_13 = vector.load %arg6[%get3A_11, %get3A_12] : memref<2x11xf32, #tpu.memory_space<vmem>>, vector<1x11xf32>
    %add3A = vector.broadcast %get3A_13 : vector<1x11xf32> to vector<1024x11xf32>
    %add3A_14 = arith.addf %mul3A_10, %add3A : vector<1024x11xf32>
    %get3A_15 = arith.constant 0 : index
    %get3A_16 = arith.constant 0 : index
    %get3A_17 = vector.load %arg1[%get3A_15, %get3A_16] : memref<1024x32xf32, #tpu.memory_space<vmem>>, vector<1024x32xf32>
    %slice3A = vector.extract_strided_slice %get3A_5 {offsets = [0, 0], sizes = [1024, 1], strides = [1, 1]} : vector<1024x11xf32> to vector<1024x1xf32>
    %get3A_18 = arith.constant 0 : index
    %get3A_19 = arith.constant 0 : index
    %get3A_20 = vector.load %arg4[%get3A_18, %get3A_19] : memref<11x128xf32, #tpu.memory_space<vmem>>, vector<1x128xf32>
    %ge3A_21 = vector.broadcast %slice3A : vector<1024x1xf32> to vector<1024x128xf32>
    %ge3A_22 = vector.broadcast %get3A_20 : vector<1x128xf32> to vector<1024x128xf32>
    %ge3A_23 = arith.cmpf oge, %ge3A_21, %ge3A_22 : vector<1024x128xf32>
    %get3A_24 = arith.constant 0 : index
    %get3A_25 = arith.constant 0 : index
    %get3A_26 = vector.load %arg5[%get3A_24, %get3A_25] : memref<11x128xf32, #tpu.memory_space<vmem>>, vector<1x128xf32>
    %lt3A = vector.broadcast %slice3A : vector<1024x1xf32> to vector<1024x128xf32>
    %lt3A_27 = vector.broadcast %get3A_26 : vector<1x128xf32> to vector<1024x128xf32>
    %lt3A_28 = arith.cmpf olt, %lt3A, %lt3A_27 : vector<1024x128xf32>
    %and3A = arith.andi %ge3A_23, %lt3A_28 : vector<1024x128xi1>
    %convert_element_type3A_29 = arith.extui %and3A : vector<1024x128xi1> to vector<1024x128xi32>
    %convert_element_type3A_30 = arith.sitofp %convert_element_type3A_29 : vector<1024x128xi32> to vector<1024x128xf32>
    %convert_element_type3A_31 = arith.truncf %convert_element_type3A_30 : vector<1024x128xf32> to vector<1024x128xbf16>
    %get3A_32 = arith.constant 0 : index
    %get3A_33 = arith.constant 0 : index
    %get3A_34 = arith.constant 0 : index
    %get3A_35 = vector.load %arg3[%get3A_32, %get3A_33, %get3A_34] : memref<11x128x32xbf16, #tpu.memory_space<vmem>>, vector<1x128x32xbf16>
    %get3A_36 = vector.shape_cast %get3A_35 : vector<1x128x32xbf16> to vector<128x32xbf16>
    %dot_general3A = arith.constant dense<0.000000e+00> : vector<1024x32xf32>
    %dot_general3A_37 = tpu.matmul %convert_element_type3A_31, %get3A_36, %dot_general3A {dimension_numbers = #tpu.dot_dimension_numbers<[1], [0], [0], [1], [0, 0, 1, 1], [], []>, transpose_lhs_hint = false} : vector<1024x128xbf16>, vector<128x32xbf16>, vector<1024x32xf32> -> vector<1024x32xf32>
    %slice3A_38 = vector.extract_strided_slice %add3A_14 {offsets = [0, 0], sizes = [1024, 1], strides = [1, 1]} : vector<1024x11xf32> to vector<1024x1xf32>
    %slice3A_39 = vector.extract_strided_slice %get3A_5 {offsets = [0, 1], sizes = [1024, 1], strides = [1, 1]} : vector<1024x11xf32> to vector<1024x1xf32>
    %get3A_40 = arith.constant 1 : index
    %get3A_41 = arith.constant 0 : index
    %get3A_42 = vector.load %arg4[%get3A_40, %get3A_41] : memref<11x128xf32, #tpu.memory_space<vmem>>, vector<1x128xf32>
    %ge3A_43 = vector.broadcast %slice3A_39 : vector<1024x1xf32> to vector<1024x128xf32>
    %ge3A_44 = vector.broadcast %get3A_42 : vector<1x128xf32> to vector<1024x128xf32>
    %ge3A_45 = arith.cmpf oge, %ge3A_43, %ge3A_44 : vector<1024x128xf32>
    %get3A_46 = arith.constant 1 : index
    %get3A_47 = arith.constant 0 : index
    %get3A_48 = vector.load %arg5[%get3A_46, %get3A_47] : memref<11x128xf32, #tpu.memory_space<vmem>>, vector<1x128xf32>
    %lt3A_49 = vector.broadcast %slice3A_39 : vector<1024x1xf32> to vector<1024x128xf32>
    %lt3A_50 = vector.broadcast %get3A_48 : vector<1x128xf32> to vector<1024x128xf32>
    %lt3A_51 = arith.cmpf olt, %lt3A_49, %lt3A_50 : vector<1024x128xf32>
    %and3A_52 = arith.andi %ge3A_45, %lt3A_51 : vector<1024x128xi1>
    %convert_element_type3A_53 = arith.extui %and3A_52 : vector<1024x128xi1> to vector<1024x128xi32>
    %convert_element_type3A_54 = arith.sitofp %convert_element_type3A_53 : vector<1024x128xi32> to vector<1024x128xf32>
    %convert_element_type3A_55 = arith.truncf %convert_element_type3A_54 : vector<1024x128xf32> to vector<1024x128xbf16>
    %get3A_56 = arith.constant 1 : index
    %get3A_57 = arith.constant 0 : index
    %get3A_58 = arith.constant 0 : index
    %get3A_59 = vector.load %arg3[%get3A_56, %get3A_57, %get3A_58] : memref<11x128x32xbf16, #tpu.memory_space<vmem>>, vector<1x128x32xbf16>
    %get3A_60 = vector.shape_cast %get3A_59 : vector<1x128x32xbf16> to vector<128x32xbf16>
    %dot_general3A_61 = arith.constant dense<0.000000e+00> : vector<1024x32xf32>
    %dot_general3A_62 = tpu.matmul %convert_element_type3A_55, %get3A_60, %dot_general3A_61 {dimension_numbers = #tpu.dot_dimension_numbers<[1], [0], [0], [1], [0, 0, 1, 1], [], []>, transpose_lhs_hint = false} : vector<1024x128xbf16>, vector<128x32xbf16>, vector<1024x32xf32> -> vector<1024x32xf32>
    %slice3A_63 = vector.extract_strided_slice %add3A_14 {offsets = [0, 1], sizes = [1024, 1], strides = [1, 1]} : vector<1024x11xf32> to vector<1024x1xf32>
    %slice3A_64 = vector.extract_strided_slice %get3A_5 {offsets = [0, 2], sizes = [1024, 1], strides = [1, 1]} : vector<1024x11xf32> to vector<1024x1xf32>
    %get3A_65 = arith.constant 2 : index
    %get3A_66 = arith.constant 0 : index
    %get3A_67 = vector.load %arg4[%get3A_65, %get3A_66] : memref<11x128xf32, #tpu.memory_space<vmem>>, vector<1x128xf32>
    %ge3A_68 = vector.broadcast %slice3A_64 : vector<1024x1xf32> to vector<1024x128xf32>
    %ge3A_69 = vector.broadcast %get3A_67 : vector<1x128xf32> to vector<1024x128xf32>
    %ge3A_70 = arith.cmpf oge, %ge3A_68, %ge3A_69 : vector<1024x128xf32>
    %get3A_71 = arith.constant 2 : index
    %get3A_72 = arith.constant 0 : index
    %get3A_73 = vector.load %arg5[%get3A_71, %get3A_72] : memref<11x128xf32, #tpu.memory_space<vmem>>, vector<1x128xf32>
    %lt3A_74 = vector.broadcast %slice3A_64 : vector<1024x1xf32> to vector<1024x128xf32>
    %lt3A_75 = vector.broadcast %get3A_73 : vector<1x128xf32> to vector<1024x128xf32>
    %lt3A_76 = arith.cmpf olt, %lt3A_74, %lt3A_75 : vector<1024x128xf32>
    %and3A_77 = arith.andi %ge3A_70, %lt3A_76 : vector<1024x128xi1>
    %convert_element_type3A_78 = arith.extui %and3A_77 : vector<1024x128xi1> to vector<1024x128xi32>
    %convert_element_type3A_79 = arith.sitofp %convert_element_type3A_78 : vector<1024x128xi32> to vector<1024x128xf32>
    %convert_element_type3A_80 = arith.truncf %convert_element_type3A_79 : vector<1024x128xf32> to vector<1024x128xbf16>
    %get3A_81 = arith.constant 2 : index
    %get3A_82 = arith.constant 0 : index
    %get3A_83 = arith.constant 0 : index
    %get3A_84 = vector.load %arg3[%get3A_81, %get3A_82, %get3A_83] : memref<11x128x32xbf16, #tpu.memory_space<vmem>>, vector<1x128x32xbf16>
    %get3A_85 = vector.shape_cast %get3A_84 : vector<1x128x32xbf16> to vector<128x32xbf16>
    %dot_general3A_86 = arith.constant dense<0.000000e+00> : vector<1024x32xf32>
    %dot_general3A_87 = tpu.matmul %convert_element_type3A_80, %get3A_85, %dot_general3A_86 {dimension_numbers = #tpu.dot_dimension_numbers<[1], [0], [0], [1], [0, 0, 1, 1], [], []>, transpose_lhs_hint = false} : vector<1024x128xbf16>, vector<128x32xbf16>, vector<1024x32xf32> -> vector<1024x32xf32>
    %slice3A_88 = vector.extract_strided_slice %add3A_14 {offsets = [0, 2], sizes = [1024, 1], strides = [1, 1]} : vector<1024x11xf32> to vector<1024x1xf32>
    %slice3A_89 = vector.extract_strided_slice %get3A_5 {offsets = [0, 3], sizes = [1024, 1], strides = [1, 1]} : vector<1024x11xf32> to vector<1024x1xf32>
    %get3A_90 = arith.constant 3 : index
    %get3A_91 = arith.constant 0 : index
    %get3A_92 = vector.load %arg4[%get3A_90, %get3A_91] : memref<11x128xf32, #tpu.memory_space<vmem>>, vector<1x128xf32>
    %ge3A_93 = vector.broadcast %slice3A_89 : vector<1024x1xf32> to vector<1024x128xf32>
    %ge3A_94 = vector.broadcast %get3A_92 : vector<1x128xf32> to vector<1024x128xf32>
    %ge3A_95 = arith.cmpf oge, %ge3A_93, %ge3A_94 : vector<1024x128xf32>
    %get3A_96 = arith.constant 3 : index
    %get3A_97 = arith.constant 0 : index
    %get3A_98 = vector.load %arg5[%get3A_96, %get3A_97] : memref<11x128xf32, #tpu.memory_space<vmem>>, vector<1x128xf32>
    %lt3A_99 = vector.broadcast %slice3A_89 : vector<1024x1xf32> to vector<1024x128xf32>
    %lt3A_100 = vector.broadcast %get3A_98 : vector<1x128xf32> to vector<1024x128xf32>
    %lt3A_101 = arith.cmpf olt, %lt3A_99, %lt3A_100 : vector<1024x128xf32>
    %and3A_102 = arith.andi %ge3A_95, %lt3A_101 : vector<1024x128xi1>
    %convert_element_type3A_103 = arith.extui %and3A_102 : vector<1024x128xi1> to vector<1024x128xi32>
    %convert_element_type3A_104 = arith.sitofp %convert_element_type3A_103 : vector<1024x128xi32> to vector<1024x128xf32>
    %convert_element_type3A_105 = arith.truncf %convert_element_type3A_104 : vector<1024x128xf32> to vector<1024x128xbf16>
    %get3A_106 = arith.constant 3 : index
    %get3A_107 = arith.constant 0 : index
    %get3A_108 = arith.constant 0 : index
    %get3A_109 = vector.load %arg3[%get3A_106, %get3A_107, %get3A_108] : memref<11x128x32xbf16, #tpu.memory_space<vmem>>, vector<1x128x32xbf16>
    %get3A_110 = vector.shape_cast %get3A_109 : vector<1x128x32xbf16> to vector<128x32xbf16>
    %dot_general3A_111 = arith.constant dense<0.000000e+00> : vector<1024x32xf32>
    %dot_general3A_112 = tpu.matmul %convert_element_type3A_105, %get3A_110, %dot_general3A_111 {dimension_numbers = #tpu.dot_dimension_numbers<[1], [0], [0], [1], [0, 0, 1, 1], [], []>, transpose_lhs_hint = false} : vector<1024x128xbf16>, vector<128x32xbf16>, vector<1024x32xf32> -> vector<1024x32xf32>
    %slice3A_113 = vector.extract_strided_slice %add3A_14 {offsets = [0, 3], sizes = [1024, 1], strides = [1, 1]} : vector<1024x11xf32> to vector<1024x1xf32>
    %slice3A_114 = vector.extract_strided_slice %get3A_5 {offsets = [0, 4], sizes = [1024, 1], strides = [1, 1]} : vector<1024x11xf32> to vector<1024x1xf32>
    %get3A_115 = arith.constant 4 : index
    %get3A_116 = arith.constant 0 : index
    %get3A_117 = vector.load %arg4[%get3A_115, %get3A_116] : memref<11x128xf32, #tpu.memory_space<vmem>>, vector<1x128xf32>
    %ge3A_118 = vector.broadcast %slice3A_114 : vector<1024x1xf32> to vector<1024x128xf32>
    %ge3A_119 = vector.broadcast %get3A_117 : vector<1x128xf32> to vector<1024x128xf32>
    %ge3A_120 = arith.cmpf oge, %ge3A_118, %ge3A_119 : vector<1024x128xf32>
    %get3A_121 = arith.constant 4 : index
    %get3A_122 = arith.constant 0 : index
    %get3A_123 = vector.load %arg5[%get3A_121, %get3A_122] : memref<11x128xf32, #tpu.memory_space<vmem>>, vector<1x128xf32>
    %lt3A_124 = vector.broadcast %slice3A_114 : vector<1024x1xf32> to vector<1024x128xf32>
    %lt3A_125 = vector.broadcast %get3A_123 : vector<1x128xf32> to vector<1024x128xf32>
    %lt3A_126 = arith.cmpf olt, %lt3A_124, %lt3A_125 : vector<1024x128xf32>
    %and3A_127 = arith.andi %ge3A_120, %lt3A_126 : vector<1024x128xi1>
    %convert_element_type3A_128 = arith.extui %and3A_127 : vector<1024x128xi1> to vector<1024x128xi32>
    %convert_element_type3A_129 = arith.sitofp %convert_element_type3A_128 : vector<1024x128xi32> to vector<1024x128xf32>
    %convert_element_type3A_130 = arith.truncf %convert_element_type3A_129 : vector<1024x128xf32> to vector<1024x128xbf16>
    %get3A_131 = arith.constant 4 : index
    %get3A_132 = arith.constant 0 : index
    %get3A_133 = arith.constant 0 : index
    %get3A_134 = vector.load %arg3[%get3A_131, %get3A_132, %get3A_133] : memref<11x128x32xbf16, #tpu.memory_space<vmem>>, vector<1x128x32xbf16>
    %get3A_135 = vector.shape_cast %get3A_134 : vector<1x128x32xbf16> to vector<128x32xbf16>
    %dot_general3A_136 = arith.constant dense<0.000000e+00> : vector<1024x32xf32>
    %dot_general3A_137 = tpu.matmul %convert_element_type3A_130, %get3A_135, %dot_general3A_136 {dimension_numbers = #tpu.dot_dimension_numbers<[1], [0], [0], [1], [0, 0, 1, 1], [], []>, transpose_lhs_hint = false} : vector<1024x128xbf16>, vector<128x32xbf16>, vector<1024x32xf32> -> vector<1024x32xf32>
    %slice3A_138 = vector.extract_strided_slice %add3A_14 {offsets = [0, 4], sizes = [1024, 1], strides = [1, 1]} : vector<1024x11xf32> to vector<1024x1xf32>
    %slice3A_139 = vector.extract_strided_slice %get3A_5 {offsets = [0, 5], sizes = [1024, 1], strides = [1, 1]} : vector<1024x11xf32> to vector<1024x1xf32>
    %get3A_140 = arith.constant 5 : index
    %get3A_141 = arith.constant 0 : index
    %get3A_142 = vector.load %arg4[%get3A_140, %get3A_141] : memref<11x128xf32, #tpu.memory_space<vmem>>, vector<1x128xf32>
    %ge3A_143 = vector.broadcast %slice3A_139 : vector<1024x1xf32> to vector<1024x128xf32>
    %ge3A_144 = vector.broadcast %get3A_142 : vector<1x128xf32> to vector<1024x128xf32>
    %ge3A_145 = arith.cmpf oge, %ge3A_143, %ge3A_144 : vector<1024x128xf32>
    %get3A_146 = arith.constant 5 : index
    %get3A_147 = arith.constant 0 : index
    %get3A_148 = vector.load %arg5[%get3A_146, %get3A_147] : memref<11x128xf32, #tpu.memory_space<vmem>>, vector<1x128xf32>
    %lt3A_149 = vector.broadcast %slice3A_139 : vector<1024x1xf32> to vector<1024x128xf32>
    %lt3A_150 = vector.broadcast %get3A_148 : vector<1x128xf32> to vector<1024x128xf32>
    %lt3A_151 = arith.cmpf olt, %lt3A_149, %lt3A_150 : vector<1024x128xf32>
    %and3A_152 = arith.andi %ge3A_145, %lt3A_151 : vector<1024x128xi1>
    %convert_element_type3A_153 = arith.extui %and3A_152 : vector<1024x128xi1> to vector<1024x128xi32>
    %convert_element_type3A_154 = arith.sitofp %convert_element_type3A_153 : vector<1024x128xi32> to vector<1024x128xf32>
    %convert_element_type3A_155 = arith.truncf %convert_element_type3A_154 : vector<1024x128xf32> to vector<1024x128xbf16>
    %get3A_156 = arith.constant 5 : index
    %get3A_157 = arith.constant 0 : index
    %get3A_158 = arith.constant 0 : index
    %get3A_159 = vector.load %arg3[%get3A_156, %get3A_157, %get3A_158] : memref<11x128x32xbf16, #tpu.memory_space<vmem>>, vector<1x128x32xbf16>
    %get3A_160 = vector.shape_cast %get3A_159 : vector<1x128x32xbf16> to vector<128x32xbf16>
    %dot_general3A_161 = arith.constant dense<0.000000e+00> : vector<1024x32xf32>
    %dot_general3A_162 = tpu.matmul %convert_element_type3A_155, %get3A_160, %dot_general3A_161 {dimension_numbers = #tpu.dot_dimension_numbers<[1], [0], [0], [1], [0, 0, 1, 1], [], []>, transpose_lhs_hint = false} : vector<1024x128xbf16>, vector<128x32xbf16>, vector<1024x32xf32> -> vector<1024x32xf32>
    %slice3A_163 = vector.extract_strided_slice %add3A_14 {offsets = [0, 5], sizes = [1024, 1], strides = [1, 1]} : vector<1024x11xf32> to vector<1024x1xf32>
    %slice3A_164 = vector.extract_strided_slice %get3A_5 {offsets = [0, 6], sizes = [1024, 1], strides = [1, 1]} : vector<1024x11xf32> to vector<1024x1xf32>
    %get3A_165 = arith.constant 6 : index
    %get3A_166 = arith.constant 0 : index
    %get3A_167 = vector.load %arg4[%get3A_165, %get3A_166] : memref<11x128xf32, #tpu.memory_space<vmem>>, vector<1x128xf32>
    %ge3A_168 = vector.broadcast %slice3A_164 : vector<1024x1xf32> to vector<1024x128xf32>
    %ge3A_169 = vector.broadcast %get3A_167 : vector<1x128xf32> to vector<1024x128xf32>
    %ge3A_170 = arith.cmpf oge, %ge3A_168, %ge3A_169 : vector<1024x128xf32>
    %get3A_171 = arith.constant 6 : index
    %get3A_172 = arith.constant 0 : index
    %get3A_173 = vector.load %arg5[%get3A_171, %get3A_172] : memref<11x128xf32, #tpu.memory_space<vmem>>, vector<1x128xf32>
    %lt3A_174 = vector.broadcast %slice3A_164 : vector<1024x1xf32> to vector<1024x128xf32>
    %lt3A_175 = vector.broadcast %get3A_173 : vector<1x128xf32> to vector<1024x128xf32>
    %lt3A_176 = arith.cmpf olt, %lt3A_174, %lt3A_175 : vector<1024x128xf32>
    %and3A_177 = arith.andi %ge3A_170, %lt3A_176 : vector<1024x128xi1>
    %convert_element_type3A_178 = arith.extui %and3A_177 : vector<1024x128xi1> to vector<1024x128xi32>
    %convert_element_type3A_179 = arith.sitofp %convert_element_type3A_178 : vector<1024x128xi32> to vector<1024x128xf32>
    %convert_element_type3A_180 = arith.truncf %convert_element_type3A_179 : vector<1024x128xf32> to vector<1024x128xbf16>
    %get3A_181 = arith.constant 6 : index
    %get3A_182 = arith.constant 0 : index
    %get3A_183 = arith.constant 0 : index
    %get3A_184 = vector.load %arg3[%get3A_181, %get3A_182, %get3A_183] : memref<11x128x32xbf16, #tpu.memory_space<vmem>>, vector<1x128x32xbf16>
    %get3A_185 = vector.shape_cast %get3A_184 : vector<1x128x32xbf16> to vector<128x32xbf16>
    %dot_general3A_186 = arith.constant dense<0.000000e+00> : vector<1024x32xf32>
    %dot_general3A_187 = tpu.matmul %convert_element_type3A_180, %get3A_185, %dot_general3A_186 {dimension_numbers = #tpu.dot_dimension_numbers<[1], [0], [0], [1], [0, 0, 1, 1], [], []>, transpose_lhs_hint = false} : vector<1024x128xbf16>, vector<128x32xbf16>, vector<1024x32xf32> -> vector<1024x32xf32>
    %slice3A_188 = vector.extract_strided_slice %add3A_14 {offsets = [0, 6], sizes = [1024, 1], strides = [1, 1]} : vector<1024x11xf32> to vector<1024x1xf32>
    %slice3A_189 = vector.extract_strided_slice %get3A_5 {offsets = [0, 7], sizes = [1024, 1], strides = [1, 1]} : vector<1024x11xf32> to vector<1024x1xf32>
    %get3A_190 = arith.constant 7 : index
    %get3A_191 = arith.constant 0 : index
    %get3A_192 = vector.load %arg4[%get3A_190, %get3A_191] : memref<11x128xf32, #tpu.memory_space<vmem>>, vector<1x128xf32>
    %ge3A_193 = vector.broadcast %slice3A_189 : vector<1024x1xf32> to vector<1024x128xf32>
    %ge3A_194 = vector.broadcast %get3A_192 : vector<1x128xf32> to vector<1024x128xf32>
    %ge3A_195 = arith.cmpf oge, %ge3A_193, %ge3A_194 : vector<1024x128xf32>
    %get3A_196 = arith.constant 7 : index
    %get3A_197 = arith.constant 0 : index
    %get3A_198 = vector.load %arg5[%get3A_196, %get3A_197] : memref<11x128xf32, #tpu.memory_space<vmem>>, vector<1x128xf32>
    %lt3A_199 = vector.broadcast %slice3A_189 : vector<1024x1xf32> to vector<1024x128xf32>
    %lt3A_200 = vector.broadcast %get3A_198 : vector<1x128xf32> to vector<1024x128xf32>
    %lt3A_201 = arith.cmpf olt, %lt3A_199, %lt3A_200 : vector<1024x128xf32>
    %and3A_202 = arith.andi %ge3A_195, %lt3A_201 : vector<1024x128xi1>
    %convert_element_type3A_203 = arith.extui %and3A_202 : vector<1024x128xi1> to vector<1024x128xi32>
    %convert_element_type3A_204 = arith.sitofp %convert_element_type3A_203 : vector<1024x128xi32> to vector<1024x128xf32>
    %convert_element_type3A_205 = arith.truncf %convert_element_type3A_204 : vector<1024x128xf32> to vector<1024x128xbf16>
    %get3A_206 = arith.constant 7 : index
    %get3A_207 = arith.constant 0 : index
    %get3A_208 = arith.constant 0 : index
    %get3A_209 = vector.load %arg3[%get3A_206, %get3A_207, %get3A_208] : memref<11x128x32xbf16, #tpu.memory_space<vmem>>, vector<1x128x32xbf16>
    %get3A_210 = vector.shape_cast %get3A_209 : vector<1x128x32xbf16> to vector<128x32xbf16>
    %dot_general3A_211 = arith.constant dense<0.000000e+00> : vector<1024x32xf32>
    %dot_general3A_212 = tpu.matmul %convert_element_type3A_205, %get3A_210, %dot_general3A_211 {dimension_numbers = #tpu.dot_dimension_numbers<[1], [0], [0], [1], [0, 0, 1, 1], [], []>, transpose_lhs_hint = false} : vector<1024x128xbf16>, vector<128x32xbf16>, vector<1024x32xf32> -> vector<1024x32xf32>
    %slice3A_213 = vector.extract_strided_slice %add3A_14 {offsets = [0, 7], sizes = [1024, 1], strides = [1, 1]} : vector<1024x11xf32> to vector<1024x1xf32>
    %slice3A_214 = vector.extract_strided_slice %get3A_5 {offsets = [0, 8], sizes = [1024, 1], strides = [1, 1]} : vector<1024x11xf32> to vector<1024x1xf32>
    %get3A_215 = arith.constant 8 : index
    %get3A_216 = arith.constant 0 : index
    %get3A_217 = vector.load %arg4[%get3A_215, %get3A_216] : memref<11x128xf32, #tpu.memory_space<vmem>>, vector<1x128xf32>
    %ge3A_218 = vector.broadcast %slice3A_214 : vector<1024x1xf32> to vector<1024x128xf32>
    %ge3A_219 = vector.broadcast %get3A_217 : vector<1x128xf32> to vector<1024x128xf32>
    %ge3A_220 = arith.cmpf oge, %ge3A_218, %ge3A_219 : vector<1024x128xf32>
    %get3A_221 = arith.constant 8 : index
    %get3A_222 = arith.constant 0 : index
    %get3A_223 = vector.load %arg5[%get3A_221, %get3A_222] : memref<11x128xf32, #tpu.memory_space<vmem>>, vector<1x128xf32>
    %lt3A_224 = vector.broadcast %slice3A_214 : vector<1024x1xf32> to vector<1024x128xf32>
    %lt3A_225 = vector.broadcast %get3A_223 : vector<1x128xf32> to vector<1024x128xf32>
    %lt3A_226 = arith.cmpf olt, %lt3A_224, %lt3A_225 : vector<1024x128xf32>
    %and3A_227 = arith.andi %ge3A_220, %lt3A_226 : vector<1024x128xi1>
    %convert_element_type3A_228 = arith.extui %and3A_227 : vector<1024x128xi1> to vector<1024x128xi32>
    %convert_element_type3A_229 = arith.sitofp %convert_element_type3A_228 : vector<1024x128xi32> to vector<1024x128xf32>
    %convert_element_type3A_230 = arith.truncf %convert_element_type3A_229 : vector<1024x128xf32> to vector<1024x128xbf16>
    %get3A_231 = arith.constant 8 : index
    %get3A_232 = arith.constant 0 : index
    %get3A_233 = arith.constant 0 : index
    %get3A_234 = vector.load %arg3[%get3A_231, %get3A_232, %get3A_233] : memref<11x128x32xbf16, #tpu.memory_space<vmem>>, vector<1x128x32xbf16>
    %get3A_235 = vector.shape_cast %get3A_234 : vector<1x128x32xbf16> to vector<128x32xbf16>
    %dot_general3A_236 = arith.constant dense<0.000000e+00> : vector<1024x32xf32>
    %dot_general3A_237 = tpu.matmul %convert_element_type3A_230, %get3A_235, %dot_general3A_236 {dimension_numbers = #tpu.dot_dimension_numbers<[1], [0], [0], [1], [0, 0, 1, 1], [], []>, transpose_lhs_hint = false} : vector<1024x128xbf16>, vector<128x32xbf16>, vector<1024x32xf32> -> vector<1024x32xf32>
    %slice3A_238 = vector.extract_strided_slice %add3A_14 {offsets = [0, 8], sizes = [1024, 1], strides = [1, 1]} : vector<1024x11xf32> to vector<1024x1xf32>
    %slice3A_239 = vector.extract_strided_slice %get3A_5 {offsets = [0, 9], sizes = [1024, 1], strides = [1, 1]} : vector<1024x11xf32> to vector<1024x1xf32>
    %get3A_240 = arith.constant 9 : index
    %get3A_241 = arith.constant 0 : index
    %get3A_242 = vector.load %arg4[%get3A_240, %get3A_241] : memref<11x128xf32, #tpu.memory_space<vmem>>, vector<1x128xf32>
    %ge3A_243 = vector.broadcast %slice3A_239 : vector<1024x1xf32> to vector<1024x128xf32>
    %ge3A_244 = vector.broadcast %get3A_242 : vector<1x128xf32> to vector<1024x128xf32>
    %ge3A_245 = arith.cmpf oge, %ge3A_243, %ge3A_244 : vector<1024x128xf32>
    %get3A_246 = arith.constant 9 : index
    %get3A_247 = arith.constant 0 : index
    %get3A_248 = vector.load %arg5[%get3A_246, %get3A_247] : memref<11x128xf32, #tpu.memory_space<vmem>>, vector<1x128xf32>
    %lt3A_249 = vector.broadcast %slice3A_239 : vector<1024x1xf32> to vector<1024x128xf32>
    %lt3A_250 = vector.broadcast %get3A_248 : vector<1x128xf32> to vector<1024x128xf32>
    %lt3A_251 = arith.cmpf olt, %lt3A_249, %lt3A_250 : vector<1024x128xf32>
    %and3A_252 = arith.andi %ge3A_245, %lt3A_251 : vector<1024x128xi1>
    %convert_element_type3A_253 = arith.extui %and3A_252 : vector<1024x128xi1> to vector<1024x128xi32>
    %convert_element_type3A_254 = arith.sitofp %convert_element_type3A_253 : vector<1024x128xi32> to vector<1024x128xf32>
    %convert_element_type3A_255 = arith.truncf %convert_element_type3A_254 : vector<1024x128xf32> to vector<1024x128xbf16>
    %get3A_256 = arith.constant 9 : index
    %get3A_257 = arith.constant 0 : index
    %get3A_258 = arith.constant 0 : index
    %get3A_259 = vector.load %arg3[%get3A_256, %get3A_257, %get3A_258] : memref<11x128x32xbf16, #tpu.memory_space<vmem>>, vector<1x128x32xbf16>
    %get3A_260 = vector.shape_cast %get3A_259 : vector<1x128x32xbf16> to vector<128x32xbf16>
    %dot_general3A_261 = arith.constant dense<0.000000e+00> : vector<1024x32xf32>
    %dot_general3A_262 = tpu.matmul %convert_element_type3A_255, %get3A_260, %dot_general3A_261 {dimension_numbers = #tpu.dot_dimension_numbers<[1], [0], [0], [1], [0, 0, 1, 1], [], []>, transpose_lhs_hint = false} : vector<1024x128xbf16>, vector<128x32xbf16>, vector<1024x32xf32> -> vector<1024x32xf32>
    %slice3A_263 = vector.extract_strided_slice %add3A_14 {offsets = [0, 9], sizes = [1024, 1], strides = [1, 1]} : vector<1024x11xf32> to vector<1024x1xf32>
    %slice3A_264 = vector.extract_strided_slice %get3A_5 {offsets = [0, 10], sizes = [1024, 1], strides = [1, 1]} : vector<1024x11xf32> to vector<1024x1xf32>
    %get3A_265 = arith.constant 10 : index
    %get3A_266 = arith.constant 0 : index
    %get3A_267 = vector.load %arg4[%get3A_265, %get3A_266] : memref<11x128xf32, #tpu.memory_space<vmem>>, vector<1x128xf32>
    %ge3A_268 = vector.broadcast %slice3A_264 : vector<1024x1xf32> to vector<1024x128xf32>
    %ge3A_269 = vector.broadcast %get3A_267 : vector<1x128xf32> to vector<1024x128xf32>
    %ge3A_270 = arith.cmpf oge, %ge3A_268, %ge3A_269 : vector<1024x128xf32>
    %get3A_271 = arith.constant 10 : index
    %get3A_272 = arith.constant 0 : index
    %get3A_273 = vector.load %arg5[%get3A_271, %get3A_272] : memref<11x128xf32, #tpu.memory_space<vmem>>, vector<1x128xf32>
    %lt3A_274 = vector.broadcast %slice3A_264 : vector<1024x1xf32> to vector<1024x128xf32>
    %lt3A_275 = vector.broadcast %get3A_273 : vector<1x128xf32> to vector<1024x128xf32>
    %lt3A_276 = arith.cmpf olt, %lt3A_274, %lt3A_275 : vector<1024x128xf32>
    %and3A_277 = arith.andi %ge3A_270, %lt3A_276 : vector<1024x128xi1>
    %convert_element_type3A_278 = arith.extui %and3A_277 : vector<1024x128xi1> to vector<1024x128xi32>
    %convert_element_type3A_279 = arith.sitofp %convert_element_type3A_278 : vector<1024x128xi32> to vector<1024x128xf32>
    %convert_element_type3A_280 = arith.truncf %convert_element_type3A_279 : vector<1024x128xf32> to vector<1024x128xbf16>
    %get3A_281 = arith.constant 10 : index
    %get3A_282 = arith.constant 0 : index
    %get3A_283 = arith.constant 0 : index
    %get3A_284 = vector.load %arg3[%get3A_281, %get3A_282, %get3A_283] : memref<11x128x32xbf16, #tpu.memory_space<vmem>>, vector<1x128x32xbf16>
    %get3A_285 = vector.shape_cast %get3A_284 : vector<1x128x32xbf16> to vector<128x32xbf16>
    %dot_general3A_286 = arith.constant dense<0.000000e+00> : vector<1024x32xf32>
    %dot_general3A_287 = tpu.matmul %convert_element_type3A_280, %get3A_285, %dot_general3A_286 {dimension_numbers = #tpu.dot_dimension_numbers<[1], [0], [0], [1], [0, 0, 1, 1], [], []>, transpose_lhs_hint = false} : vector<1024x128xbf16>, vector<128x32xbf16>, vector<1024x32xf32> -> vector<1024x32xf32>
    %slice3A_288 = vector.extract_strided_slice %add3A_14 {offsets = [0, 10], sizes = [1024, 1], strides = [1, 1]} : vector<1024x11xf32> to vector<1024x1xf32>
    %concatenate3A = tpu.concatenate %get3A_17, %dot_general3A_37, %slice3A_38, %dot_general3A_62, %slice3A_63, %dot_general3A_87, %slice3A_88, %dot_general3A_112, %slice3A_113, %dot_general3A_137, %slice3A_138, %dot_general3A_162, %slice3A_163, %dot_general3A_187, %slice3A_188, %dot_general3A_212, %slice3A_213, %dot_general3A_237, %slice3A_238, %dot_general3A_262, %slice3A_263, %dot_general3A_287, %slice3A_288 in 1 : vector<1024x32xf32>, vector<1024x32xf32>, vector<1024x1xf32>, vector<1024x32xf32>, vector<1024x1xf32>, vector<1024x32xf32>, vector<1024x1xf32>, vector<1024x32xf32>, vector<1024x1xf32>, vector<1024x32xf32>, vector<1024x1xf32>, vector<1024x32xf32>, vector<1024x1xf32>, vector<1024x32xf32>, vector<1024x1xf32>, vector<1024x32xf32>, vector<1024x1xf32>, vector<1024x32xf32>, vector<1024x1xf32>, vector<1024x32xf32>, vector<1024x1xf32>, vector<1024x32xf32>, vector<1024x1xf32> -> vector<1024x395xf32>
    %swap3A = arith.index_cast %rem3A_0 : i32 to index
    %swap3A_289 = arith.constant 0 : index
    %swap3A_290 = arith.constant 0 : index
    %swap3A_291 = vector.load %arg8[%swap3A, %swap3A_289, %swap3A_290] : memref<8x1024x395xf32, #tpu.memory_space<vmem>>, vector<1x1024x395xf32>
    %swap3A_292 = vector.shape_cast %swap3A_291 : vector<1x1024x395xf32> to vector<1024x395xf32>
    %swap3A_293 = vector.shape_cast %concatenate3A : vector<1024x395xf32> to vector<1x1024x395xf32>
    tpu.vector_store %arg8[%swap3A, %swap3A_289, %swap3A_290], %swap3A_293 {strides = array<i32>} : memref<8x1024x395xf32, #tpu.memory_space<vmem>>, vector<1x1024x395xf32>,
    %dma_start3A = tpu.memref_slice %arg9[%rem3A_0] : memref<8x!tpu.dma_semaphore, #tpu.memory_space<semaphore_mem>> -> memref<1x!tpu.dma_semaphore, #tpu.memory_space<semaphore_mem>>
    %dma_start3A_294 = tpu.memref_squeeze %dma_start3A : memref<1x!tpu.dma_semaphore, #tpu.memory_space<semaphore_mem>> -> memref<!tpu.dma_semaphore, #tpu.memory_space<semaphore_mem>>
    %dma_start3A_295 = arith.constant 0 : i32
    %dma_start3A_296 = tpu.memref_slice %arg7[%mul3A_1, %dma_start3A_295] : memref<16384x395xf32, #tpu.memory_space<any>> -> memref<1024x395xf32, #tpu.memory_space<any>>
    %dma_start3A_297 = arith.constant 0 : i32
    %dma_start3A_298 = arith.constant 0 : i32
    %dma_start3A_299 = tpu.memref_slice %arg8[%rem3A_0, %dma_start3A_297, %dma_start3A_298] : memref<8x1024x395xf32, #tpu.memory_space<vmem>> -> memref<1x1024x395xf32, #tpu.memory_space<vmem>>
    %dma_start3A_300 = tpu.memref_squeeze %dma_start3A_299 : memref<1x1024x395xf32, #tpu.memory_space<vmem>> -> memref<1024x395xf32, #tpu.memory_space<vmem>>
    tpu.enqueue_dma source(%dma_start3A_300 : memref<1024x395xf32, #tpu.memory_space<vmem>>) target(%dma_start3A_296 : memref<1024x395xf32, #tpu.memory_space<any>>) target_semaphore(%dma_start3A_294 : memref<!tpu.dma_semaphore, #tpu.memory_space<semaphore_mem>>)
    %eq3A = arith.constant 15 : i32
    %eq3A_301 = arith.cmpi eq, %arg0, %eq3A : i32
    %convert_element_type3A_302 = arith.extui %eq3A_301 : i1 to i32
    %cond3A_303 = arith.constant 0 : i32
    %cond3A_304 = arith.cmpi ne, %convert_element_type3A_302, %cond3A_303 : i32
    scf.if %cond3A_304 {
      %dma_wait3A = arith.constant 0 : i32
      %dma_wait3A_305 = arith.constant 0 : i32
      %dma_wait3A_306 = tpu.memref_slice %arg9[%dma_wait3A_305] : memref<8x!tpu.dma_semaphore, #tpu.memory_space<semaphore_mem>> -> memref<1x!tpu.dma_semaphore, #tpu.memory_space<semaphore_mem>>
      %dma_wait3A_307 = tpu.memref_squeeze %dma_wait3A_306 : memref<1x!tpu.dma_semaphore, #tpu.memory_space<semaphore_mem>> -> memref<!tpu.dma_semaphore, #tpu.memory_space<semaphore_mem>>
      %dma_wait3A_308 = arith.constant 0 : i32
      %dma_wait3A_309 = tpu.memref_slice %arg7[%mul3A_1, %dma_wait3A_308] : memref<16384x395xf32, #tpu.memory_space<any>> -> memref<1024x395xf32, #tpu.memory_space<any>>
      %dma_wait3A_310 = arith.constant 0 : i32
      %dma_wait3A_311 = arith.constant 0 : i32
      %dma_wait3A_312 = tpu.memref_slice %arg8[%dma_wait3A, %dma_wait3A_310, %dma_wait3A_311] : memref<8x1024x395xf32, #tpu.memory_space<vmem>> -> memref<1x1024x395xf32, #tpu.memory_space<vmem>>
      %dma_wait3A_313 = tpu.memref_squeeze %dma_wait3A_312 : memref<1x1024x395xf32, #tpu.memory_space<vmem>> -> memref<1024x395xf32, #tpu.memory_space<vmem>>
      tpu.wait_dma2 semaphore(%dma_wait3A_307 : memref<!tpu.dma_semaphore, #tpu.memory_space<semaphore_mem>>) src(%dma_wait3A_313 : memref<1024x395xf32, #tpu.memory_space<vmem>>) dst(%dma_wait3A_309 : memref<1024x395xf32, #tpu.memory_space<any>>)
      %dma_wait3A_314 = arith.constant 1 : i32
      %dma_wait3A_315 = arith.constant 1 : i32
      %dma_wait3A_316 = tpu.memref_slice %arg9[%dma_wait3A_315] : memref<8x!tpu.dma_semaphore, #tpu.memory_space<semaphore_mem>> -> memref<1x!tpu.dma_semaphore, #tpu.memory_space<semaphore_mem>>
      %dma_wait3A_317 = tpu.memref_squeeze %dma_wait3A_316 : memref<1x!tpu.dma_semaphore, #tpu.memory_space<semaphore_mem>> -> memref<!tpu.dma_semaphore, #tpu.memory_space<semaphore_mem>>
      %dma_wait3A_318 = arith.constant 0 : i32
      %dma_wait3A_319 = tpu.memref_slice %arg7[%mul3A_1, %dma_wait3A_318] : memref<16384x395xf32, #tpu.memory_space<any>> -> memref<1024x395xf32, #tpu.memory_space<any>>
      %dma_wait3A_320 = arith.constant 0 : i32
      %dma_wait3A_321 = arith.constant 0 : i32
      %dma_wait3A_322 = tpu.memref_slice %arg8[%dma_wait3A_314, %dma_wait3A_320, %dma_wait3A_321] : memref<8x1024x395xf32, #tpu.memory_space<vmem>> -> memref<1x1024x395xf32, #tpu.memory_space<vmem>>
      %dma_wait3A_323 = tpu.memref_squeeze %dma_wait3A_322 : memref<1x1024x395xf32, #tpu.memory_space<vmem>> -> memref<1024x395xf32, #tpu.memory_space<vmem>>
      tpu.wait_dma2 semaphore(%dma_wait3A_317 : memref<!tpu.dma_semaphore, #tpu.memory_space<semaphore_mem>>) src(%dma_wait3A_323 : memref<1024x395xf32, #tpu.memory_space<vmem>>) dst(%dma_wait3A_319 : memref<1024x395xf32, #tpu.memory_space<any>>)
      %dma_wait3A_324 = arith.constant 2 : i32
      %dma_wait3A_325 = arith.constant 2 : i32
      %dma_wait3A_326 = tpu.memref_slice %arg9[%dma_wait3A_325] : memref<8x!tpu.dma_semaphore, #tpu.memory_space<semaphore_mem>> -> memref<1x!tpu.dma_semaphore, #tpu.memory_space<semaphore_mem>>
      %dma_wait3A_327 = tpu.memref_squeeze %dma_wait3A_326 : memref<1x!tpu.dma_semaphore, #tpu.memory_space<semaphore_mem>> -> memref<!tpu.dma_semaphore, #tpu.memory_space<semaphore_mem>>
      %dma_wait3A_328 = arith.constant 0 : i32
      %dma_wait3A_329 = tpu.memref_slice %arg7[%mul3A_1, %dma_wait3A_328] : memref<16384x395xf32, #tpu.memory_space<any>> -> memref<1024x395xf32, #tpu.memory_space<any>>
      %dma_wait3A_330 = arith.constant 0 : i32
      %dma_wait3A_331 = arith.constant 0 : i32
      %dma_wait3A_332 = tpu.memref_slice %arg8[%dma_wait3A_324, %dma_wait3A_330, %dma_wait3A_331] : memref<8x1024x395xf32, #tpu.memory_space<vmem>> -> memref<1x1024x395xf32, #tpu.memory_space<vmem>>
      %dma_wait3A_333 = tpu.memref_squeeze %dma_wait3A_332 : memref<1x1024x395xf32, #tpu.memory_space<vmem>> -> memref<1024x395xf32, #tpu.memory_space<vmem>>
      tpu.wait_dma2 semaphore(%dma_wait3A_327 : memref<!tpu.dma_semaphore, #tpu.memory_space<semaphore_mem>>) src(%dma_wait3A_333 : memref<1024x395xf32, #tpu.memory_space<vmem>>) dst(%dma_wait3A_329 : memref<1024x395xf32, #tpu.memory_space<any>>)
      %dma_wait3A_334 = arith.constant 3 : i32
      %dma_wait3A_335 = arith.constant 3 : i32
      %dma_wait3A_336 = tpu.memref_slice %arg9[%dma_wait3A_335] : memref<8x!tpu.dma_semaphore, #tpu.memory_space<semaphore_mem>> -> memref<1x!tpu.dma_semaphore, #tpu.memory_space<semaphore_mem>>
      %dma_wait3A_337 = tpu.memref_squeeze %dma_wait3A_336 : memref<1x!tpu.dma_semaphore, #tpu.memory_space<semaphore_mem>> -> memref<!tpu.dma_semaphore, #tpu.memory_space<semaphore_mem>>
      %dma_wait3A_338 = arith.constant 0 : i32
      %dma_wait3A_339 = tpu.memref_slice %arg7[%mul3A_1, %dma_wait3A_338] : memref<16384x395xf32, #tpu.memory_space<any>> -> memref<1024x395xf32, #tpu.memory_space<any>>
      %dma_wait3A_340 = arith.constant 0 : i32
      %dma_wait3A_341 = arith.constant 0 : i32
      %dma_wait3A_342 = tpu.memref_slice %arg8[%dma_wait3A_334, %dma_wait3A_340, %dma_wait3A_341] : memref<8x1024x395xf32, #tpu.memory_space<vmem>> -> memref<1x1024x395xf32, #tpu.memory_space<vmem>>
      %dma_wait3A_343 = tpu.memref_squeeze %dma_wait3A_342 : memref<1x1024x395xf32, #tpu.memory_space<vmem>> -> memref<1024x395xf32, #tpu.memory_space<vmem>>
      tpu.wait_dma2 semaphore(%dma_wait3A_337 : memref<!tpu.dma_semaphore, #tpu.memory_space<semaphore_mem>>) src(%dma_wait3A_343 : memref<1024x395xf32, #tpu.memory_space<vmem>>) dst(%dma_wait3A_339 : memref<1024x395xf32, #tpu.memory_space<any>>)
      %dma_wait3A_344 = arith.constant 4 : i32
      %dma_wait3A_345 = arith.constant 4 : i32
      %dma_wait3A_346 = tpu.memref_slice %arg9[%dma_wait3A_345] : memref<8x!tpu.dma_semaphore, #tpu.memory_space<semaphore_mem>> -> memref<1x!tpu.dma_semaphore, #tpu.memory_space<semaphore_mem>>
      %dma_wait3A_347 = tpu.memref_squeeze %dma_wait3A_346 : memref<1x!tpu.dma_semaphore, #tpu.memory_space<semaphore_mem>> -> memref<!tpu.dma_semaphore, #tpu.memory_space<semaphore_mem>>
      %dma_wait3A_348 = arith.constant 0 : i32
      %dma_wait3A_349 = tpu.memref_slice %arg7[%mul3A_1, %dma_wait3A_348] : memref<16384x395xf32, #tpu.memory_space<any>> -> memref<1024x395xf32, #tpu.memory_space<any>>
      %dma_wait3A_350 = arith.constant 0 : i32
      %dma_wait3A_351 = arith.constant 0 : i32
      %dma_wait3A_352 = tpu.memref_slice %arg8[%dma_wait3A_344, %dma_wait3A_350, %dma_wait3A_351] : memref<8x1024x395xf32, #tpu.memory_space<vmem>> -> memref<1x1024x395xf32, #tpu.memory_space<vmem>>
      %dma_wait3A_353 = tpu.memref_squeeze %dma_wait3A_352 : memref<1x1024x395xf32, #tpu.memory_space<vmem>> -> memref<1024x395xf32, #tpu.memory_space<vmem>>
      tpu.wait_dma2 semaphore(%dma_wait3A_347 : memref<!tpu.dma_semaphore, #tpu.memory_space<semaphore_mem>>) src(%dma_wait3A_353 : memref<1024x395xf32, #tpu.memory_space<vmem>>) dst(%dma_wait3A_349 : memref<1024x395xf32, #tpu.memory_space<any>>)
      %dma_wait3A_354 = arith.constant 5 : i32
      %dma_wait3A_355 = arith.constant 5 : i32
      %dma_wait3A_356 = tpu.memref_slice %arg9[%dma_wait3A_355] : memref<8x!tpu.dma_semaphore, #tpu.memory_space<semaphore_mem>> -> memref<1x!tpu.dma_semaphore, #tpu.memory_space<semaphore_mem>>
      %dma_wait3A_357 = tpu.memref_squeeze %dma_wait3A_356 : memref<1x!tpu.dma_semaphore, #tpu.memory_space<semaphore_mem>> -> memref<!tpu.dma_semaphore, #tpu.memory_space<semaphore_mem>>
      %dma_wait3A_358 = arith.constant 0 : i32
      %dma_wait3A_359 = tpu.memref_slice %arg7[%mul3A_1, %dma_wait3A_358] : memref<16384x395xf32, #tpu.memory_space<any>> -> memref<1024x395xf32, #tpu.memory_space<any>>
      %dma_wait3A_360 = arith.constant 0 : i32
      %dma_wait3A_361 = arith.constant 0 : i32
      %dma_wait3A_362 = tpu.memref_slice %arg8[%dma_wait3A_354, %dma_wait3A_360, %dma_wait3A_361] : memref<8x1024x395xf32, #tpu.memory_space<vmem>> -> memref<1x1024x395xf32, #tpu.memory_space<vmem>>
      %dma_wait3A_363 = tpu.memref_squeeze %dma_wait3A_362 : memref<1x1024x395xf32, #tpu.memory_space<vmem>> -> memref<1024x395xf32, #tpu.memory_space<vmem>>
      tpu.wait_dma2 semaphore(%dma_wait3A_357 : memref<!tpu.dma_semaphore, #tpu.memory_space<semaphore_mem>>) src(%dma_wait3A_363 : memref<1024x395xf32, #tpu.memory_space<vmem>>) dst(%dma_wait3A_359 : memref<1024x395xf32, #tpu.memory_space<any>>)
      %dma_wait3A_364 = arith.constant 6 : i32
      %dma_wait3A_365 = arith.constant 6 : i32
      %dma_wait3A_366 = tpu.memref_slice %arg9[%dma_wait3A_365] : memref<8x!tpu.dma_semaphore, #tpu.memory_space<semaphore_mem>> -> memref<1x!tpu.dma_semaphore, #tpu.memory_space<semaphore_mem>>
      %dma_wait3A_367 = tpu.memref_squeeze %dma_wait3A_366 : memref<1x!tpu.dma_semaphore, #tpu.memory_space<semaphore_mem>> -> memref<!tpu.dma_semaphore, #tpu.memory_space<semaphore_mem>>
      %dma_wait3A_368 = arith.constant 0 : i32
      %dma_wait3A_369 = tpu.memref_slice %arg7[%mul3A_1, %dma_wait3A_368] : memref<16384x395xf32, #tpu.memory_space<any>> -> memref<1024x395xf32, #tpu.memory_space<any>>
      %dma_wait3A_370 = arith.constant 0 : i32
      %dma_wait3A_371 = arith.constant 0 : i32
      %dma_wait3A_372 = tpu.memref_slice %arg8[%dma_wait3A_364, %dma_wait3A_370, %dma_wait3A_371] : memref<8x1024x395xf32, #tpu.memory_space<vmem>> -> memref<1x1024x395xf32, #tpu.memory_space<vmem>>
      %dma_wait3A_373 = tpu.memref_squeeze %dma_wait3A_372 : memref<1x1024x395xf32, #tpu.memory_space<vmem>> -> memref<1024x395xf32, #tpu.memory_space<vmem>>
      tpu.wait_dma2 semaphore(%dma_wait3A_367 : memref<!tpu.dma_semaphore, #tpu.memory_space<semaphore_mem>>) src(%dma_wait3A_373 : memref<1024x395xf32, #tpu.memory_space<vmem>>) dst(%dma_wait3A_369 : memref<1024x395xf32, #tpu.memory_space<any>>)
      %dma_wait3A_374 = arith.constant 7 : i32
      %dma_wait3A_375 = arith.constant 7 : i32
      %dma_wait3A_376 = tpu.memref_slice %arg9[%dma_wait3A_375] : memref<8x!tpu.dma_semaphore, #tpu.memory_space<semaphore_mem>> -> memref<1x!tpu.dma_semaphore, #tpu.memory_space<semaphore_mem>>
      %dma_wait3A_377 = tpu.memref_squeeze %dma_wait3A_376 : memref<1x!tpu.dma_semaphore, #tpu.memory_space<semaphore_mem>> -> memref<!tpu.dma_semaphore, #tpu.memory_space<semaphore_mem>>
      %dma_wait3A_378 = arith.constant 0 : i32
      %dma_wait3A_379 = tpu.memref_slice %arg7[%mul3A_1, %dma_wait3A_378] : memref<16384x395xf32, #tpu.memory_space<any>> -> memref<1024x395xf32, #tpu.memory_space<any>>
      %dma_wait3A_380 = arith.constant 0 : i32
      %dma_wait3A_381 = arith.constant 0 : i32
      %dma_wait3A_382 = tpu.memref_slice %arg8[%dma_wait3A_374, %dma_wait3A_380, %dma_wait3A_381] : memref<8x1024x395xf32, #tpu.memory_space<vmem>> -> memref<1x1024x395xf32, #tpu.memory_space<vmem>>
      %dma_wait3A_383 = tpu.memref_squeeze %dma_wait3A_382 : memref<1x1024x395xf32, #tpu.memory_space<vmem>> -> memref<1024x395xf32, #tpu.memory_space<vmem>>
      tpu.wait_dma2 semaphore(%dma_wait3A_377 : memref<!tpu.dma_semaphore, #tpu.memory_space<semaphore_mem>>) src(%dma_wait3A_383 : memref<1024x395xf32, #tpu.memory_space<vmem>>) dst(%dma_wait3A_379 : memref<1024x395xf32, #tpu.memory_space<any>>)
    } else {
    }
    return
  }
  func.func @transform_0(%arg0: i32) -> (i32, i32) {
    %c0_i32 = arith.constant 0 : i32
    %c0_i32_0 = arith.constant 0 : i32
    return %arg0, %c0_i32 : i32, i32
  }
  func.func @transform_1(%arg0: i32) -> (i32, i32) {
    %c0_i32 = arith.constant 0 : i32
    %c0_i32_0 = arith.constant 0 : i32
    return %arg0, %c0_i32 : i32, i32
  }
  func.func @transform_2(%arg0: i32) -> (i32, i32, i32) {
    %c0_i32 = arith.constant 0 : i32
    %c0_i32_0 = arith.constant 0 : i32
    %c0_i32_1 = arith.constant 0 : i32
    %c0_i32_2 = arith.constant 0 : i32
    return %c0_i32, %c0_i32_0, %c0_i32_1 : i32, i32, i32
  }
  func.func @transform_3(%arg0: i32) -> (i32, i32) {
    %c0_i32 = arith.constant 0 : i32
    %c0_i32_0 = arith.constant 0 : i32
    %c0_i32_1 = arith.constant 0 : i32
    return %c0_i32, %c0_i32_0 : i32, i32
  }
  func.func @transform_4(%arg0: i32) -> (i32, i32) {
    %c0_i32 = arith.constant 0 : i32
    %c0_i32_0 = arith.constant 0 : i32
    %c0_i32_1 = arith.constant 0 : i32
    return %c0_i32, %c0_i32_0 : i32, i32
  }
  func.func @transform_5(%arg0: i32) -> (i32, i32) {
    %c0_i32 = arith.constant 0 : i32
    %c0_i32_0 = arith.constant 0 : i32
    %c0_i32_1 = arith.constant 0 : i32
    return %c0_i32, %c0_i32_0 : i32, i32
  }
}

</mosaic_0001>

<sc_bundles>
// kernel: kernel.4.cloned.1.call-start
scs
__scs_entry_jumppad:
0x0: {  	(pc) =	sbr.rel $0x88, $3  }
0x1: {  	(tag) =	ssettag $0x0;
	lr =	simm.s32 $0x1  }
0x2: {  	[smem:$0x3F68] =	sst lr;
	_ =	strace $0xD0000000  }
0x3: {  	_ = 	snop  }
0x4: {  	_ = 	snop  }
0x5: {  	_ = 	snop  }
0x6: {  	_ = 	snop  }
0x7: {  	_ = 	snop  }
__scs_overlays_trampoline_lowered:
0x8: {  	[smem:$0x3F77] =	sst s0  }
0x9: {  	[smem:$0x3F78] =	sst s1  }
0xa: {  	[smem:$0x3F79] =	sst s2  }
0xb: {  	[smem:$0x3F7A] =	sst s3  }
0xc: {  	[smem:$0x3F7B] =	sst s4  }
0xd: {  	[smem:$0x3F7C] =	sst s5  }
0xe: {  	[smem:$0x3F7D] =	sst s6  }
0xf: {  	[smem:$0x3F7E] =	sst s7  }
0x10: {  	[smem:$0x3F7F] =	sst s8  }
0x11: {  	[smem:$0x3F80] =	sst s9;
	s0 =	simm.s32 @!p0 $0x0  }
0x12: {  	s1 =	sld [smem:$0x3F66];
	s0 =	simm.s32 @p0 $0x1  }
0x13: {  	[smem:$0x3F81] =	sst s0;
	s0 =	simm.s32 @!p1 $0x0  }
0x14: {  	s2 =	sld [smem:$0x3F65];
	s0 =	simm.s32 @p1 $0x1  }
0x15: {  	[smem:$0x3F82] =	sst s0;
	s0 =	simm.s32 @!p2 $0x0  }
0x16: {  	s3 =	sld [smem:$0x3FDB];
	s0 =	simm.s32 @p2 $0x1  }
0x17: {  	s4 =	simm.s32 $0x1BF5;
	[smem:$0x3F84] =	sst s0  }
0x18: {  	s0 =	sld [smem:$0x3F67];
	_ =	swait.ge [sflag:s4], $0x0  }
0x19: {  	s7 =	sld [smem:$0x3F68]  }
0x1a: {  	s8 =	sadd.s32 $0xFFFFE003, lr  }
0x1b: {  	s9 =	sadd.s32 $0xFFFFFEF7, lr;
	s5 =	simm.s32 $0xFFFFFFFF;
	p2 =	slt.u32 s8, $0xFFFFF086  }
0x1c: {  	p1 =	slt.u32 s9, $0xF7A;
	s5 =	simm.s32 @!p2 $0x0  }
0x1d: {  	s5 =	simm.s32 @p1 $0x1;
	p0 =	seq.s32 s7, s2  }
0x1e: {  	s7 =	smul.u32 @!p0 $0xF7A, s2;
	p2 =	seq.s32 @!p0 s5, $0x0  }
0x1f: {  	s9 =	smul.u32 $0xF7A, s1;
	s8 =	simm.s32 @!p0 $0x1BF5;
	p2 =	por !p2, p0  }
0x20: {  	[sflag:s8] =	ssyncset.s32 @!p0 $0xFFFFF086;
	s6 =	sadd.s32 @!p0 s3, s7;
	s7 =	simm.s32 @!p0 $0x108  }
0x21: {  	s3 =	sadd.s32 s3, s9;
	s6 =	sadd.s32 @!p0 $0x88, s6;
	s7 =	simm.s32 @p2 $0x1082  }
0x22: {  	[simem:s7], [sflag:s8] =	dma.local @!p0 [hbm:s6], $0xF7A  }
0x23: {  	s9 =	sor.u32 $0xD0000000, s2;
	s6 =	simm.s32 $0x108;
	_ =	swait.ge @!p0 [sflag:s8], $0x0  }
0x24: {  	s3 =	sadd.s32 $0x88, s3;
	s6 =	simm.s32 @!p1 $0x1082;
	[sflag:s4] =	ssyncset.s32 $0xFFFFF086  }
0x25: {  	[simem:s6], [sflag:s4] =	dma.local [hbm:s3], $0xF7A  }
0x26: {  	[smem:$0x3F68] =	sst s1;
	(tag) =	ssettag s2;
	_ =	strace s9  }
0x27: {  	s1 =	sld [smem:$0x3F78]  }
0x28: {  	s2 =	sld [smem:$0x3F79]  }
0x29: {  	s4 =	sld [smem:$0x3F7B]  }
0x2a: {  	p0 =	seq.s32 s5, $0x0;
	s5 =	sld [smem:$0x3F7C]  }
0x2b: {  	s6 =	sld [smem:$0x3F7D]  }
0x2c: {  	s7 =	sld [smem:$0x3F7E]  }
0x2d: {  	s3 =	simm.s32 $0x108;
	s8 =	sld [smem:$0x3F7F]  }
0x2e: {  	s3 =	simm.s32 @!p0 $0x1082;
	s9 =	sld [smem:$0x3F80]  }
0x2f: {  	lr =	sadd.s32 s0, s3;
	s0 =	sld [smem:$0x3F77]  }
0x30: {  	s3 =	sld [smem:$0x3F7A]  }
0x31: {  	[smem:$0x3F83] =	sst s10  }
0x32: {  	s10 =	sld [smem:$0x3F81];
	_ =	sdelay $0x3  }
0x33: {  	p0 =	seq.s32 s10, $0x1;
	s10 =	sld [smem:$0x3F83];
	_ =	sdelay $0x3  }
0x34: {  	[smem:$0x3F83] =	sst s10  }
0x35: {  	s10 =	sld [smem:$0x3F82];
	_ =	sdelay $0x3  }
0x36: {  	p1 =	seq.s32 s10, $0x1;
	s10 =	sld [smem:$0x3F83];
	_ =	sdelay $0x3  }
0x37: {  	[smem:$0x3F83] =	sst s10  }
0x38: {  	s10 =	sld [smem:$0x3F84]  }
0x39: {  	_ = 	snop;
	(pc) =	sbr.ind lr, $3  }
0x3a: {  	_ = 	snop  }
0x3b: {  	_ = 	snop  }
0x3c: {  	p2 =	seq.s32 s10, $0x1;
	s10 =	sld [smem:$0x3F83]  }
0x3d: {  	_ =	shalt  }
0x3e: {  	_ =	shalt  }
0x3f: {  	_ =	shalt  }
0x40: {  	_ =	shalt  }
0x41: {  	_ =	shalt  }
0x42: {  	_ =	shalt  }
0x43: {  	_ =	shalt  }
0x44: {  	_ =	shalt  }
0x45: {  	_ =	shalt  }
0x46: {  	_ =	shalt  }
0x47: {  	_ =	shalt  }
0x48: {  	_ =	shalt  }
0x49: {  	_ =	shalt  }
0x4a: {  	_ =	shalt  }
0x4b: {  	_ =	shalt  }
0x4c: {  	_ =	shalt  }
0x4d: {  	_ =	shalt  }
0x4e: {  	_ =	shalt  }
0x4f: {  	_ =	shalt  }
0x50: {  	_ =	shalt  }
0x51: {  	_ =	shalt  }
0x52: {  	_ =	shalt  }
0x53: {  	_ =	shalt  }
0x54: {  	_ =	shalt  }
0x55: {  	_ =	shalt  }
0x56: {  	_ =	shalt  }
0x57: {  	_ =	shalt  }
0x58: {  	_ =	shalt  }
0x59: {  	_ =	shalt  }
0x5a: {  	_ =	shalt  }
0x5b: {  	_ =	shalt  }
0x5c: {  	_ =	shalt  }
0x5d: {  	_ =	shalt  }
0x5e: {  	_ =	shalt  }
0x5f: {  	_ =	shalt  }
0x60: {  	_ =	shalt  }
0x61: {  	_ =	shalt  }
0x62: {  	_ =	shalt  }
0x63: {  	_ =	shalt  }
0x64: {  	_ =	shalt  }
0x65: {  	_ =	shalt  }
0x66: {  	_ =	shalt  }
0x67: {  	_ =	shalt  }
0x68: {  	_ =	shalt  }
0x69: {  	_ =	shalt  }
0x6a: {  	_ =	shalt  }
0x6b: {  	_ =	shalt  }
0x6c: {  	_ =	shalt  }
0x6d: {  	_ =	shalt  }
0x6e: {  	_ =	shalt  }
0x6f: {  	_ =	shalt  }
0x70: {  	_ =	shalt  }
0x71: {  	_ =	shalt  }
0x72: {  	_ =	shalt  }
0x73: {  	_ =	shalt  }
0x74: {  	_ =	shalt  }
0x75: {  	_ =	shalt  }
0x76: {  	_ =	shalt  }
0x77: {  	_ =	shalt  }
0x78: {  	_ =	shalt  }
0x79: {  	_ =	shalt  }
0x7a: {  	_ =	shalt  }
0x7b: {  	_ =	shalt  }
0x7c: {  	_ =	shalt  }
0x7d: {  	_ =	shalt  }
0x7e: {  	_ =	shalt  }
0x7f: {  	_ =	shalt  }
0x80: {  	_ =	shalt  }
0x81: {  	_ =	shalt  }
0x82: {  	_ =	shalt  }
0x83: {  	_ =	shalt  }
0x84: {  	_ =	shalt  }
0x85: {  	_ =	shalt  }
0x86: {  	_ =	shalt  }
0x87: {  	_ =	shalt  }
.Lfunc_end0:
.L_simem_size_0:
called_computation_lowered:
.L_overlay_start_0:
0x88: {  	s2 =	sld [smem:$0x3FD9]  }
0x89: {  	s3 =	sld [smem:$0x3FFE];
	_ =	sdelay $0x1  }
0x8a: {  	s1 =	srdreg.scid  }
0x8b: {  	s0 =	sand.u32 $0x1, s1  }
0x8c: {  	s17 =	sshll.u32 s0, $0xA;
	s2 =	sadd.s32 s3, s2  }
0x8d: {  	s2 =	sadd.s32 s2, s17  }
0x8e: {  	[smem:$0x3F8F] =	sst s2  }
0x8f: {  	_ = 	snop  }
0x90: {  	s2 =	sld [smem:$0x3FC9]  }
0x91: {  	s18 =	sld [smem:$0x3FD0];
	(tm) =	ssettm $0x1  }
0x92: {  	s4 =	sld [smem:$0x3FFB];
	_ =	sdelay $0x3  }
0x93: {  	_ =	strace s4  }
0x94: {  	s4 =	sld [smem:$0x3FFC];
	_ =	sdelay $0x3  }
0x95: {  	_ =	strace s4  }
0x96: {  	s4 =	sld [smem:$0x3FFD];
	_ =	sdelay $0x3  }
0x97: {  	_ =	strace s4  }
0x98: {  	_ =	strace $0x8FFFFFFF  }
0x99: {  	s19 =	sld [smem:$0x3FDB];
	_ =	sdelay $0x1  }
0x9a: {  	s5 =	simm.s32 $_scs_section_size  }
0x9b: {  	s6 =	simm.s32 $_size__tile_overlayer_lowered;
	s7 =	simm.s32 $_tile_overlayer_lowered  }
0x9c: {  	s22 =	simm.s32 $0x1BFF;
	s21 =	sshll.u32 s7, $0x1;
	s4 =	sadd.s32 s5, s19  }
0x9d: {  	s8 =	simm.s32 $0x0;
	s20 =	sshll.u32 s6, $0x1;
	s6 =	sadd.s32 s21, s4  }
0x9e: {  	[timem:s8], [sflag:s22] =	dma.local [hbm:s6], s20  }
0x9f: {  	_ =	swait.ge [sflag:s22], s20  }
0xa0: {  	s5 =	ssub.s32 $0x0, s20;
	[sflag:s22] =	ssyncset.done $0x0  }
0xa1: {  	[sflag:s22] =	ssyncadd.s32 s5;
	_ =	sdelay $0x1  }
0xa2: {  	s23 =	simm.s32 $0x1B8B  }
0xa3: {  	_ =	swait.ge [sflag:s23], $0x1  }
0xa4: {  	[sflag:s23] =	ssyncset.done $0x0  }
0xa5: {  	s25 =	simm.s32 $0x1B8E;
	s24 =	sld [smem:$0x3FFE];
	[sflag:s23] =	ssyncadd.s32 $0xFFFFFFFF  }
0xa6: {  	s26 =	simm.s32 $execute0_lowered;
	[smem:$0x3FD2] =	sst s25  }
0xa7: {  	s6 =	sshll.u32 s26, $0x1;
	_ =	strace $0x80000046;
	[dreg:$0x1] =	wrdreg $0xFFFFFFFF  }
0xa8: {  	s28 =	simm.s32 $_size_execute0_lowered;
	s4 =	sadd.s32 s4, s6;
	[dreg:$0x0] =	wrdreg $0x0  }
0xa9: {  	s6 =	sshll.u32 s28, $0x1;
	[dreg:$0x2] =	wrdreg s4  }
0xaa: {  	[dreg:$0x3] =	wrdreg s6  }
0xab: {  	[dreg:$0x4] =	wrdreg $0xC0  }
0xac: {  	_ =	task [dreg:s8], $0x5FFFF  }
0xad: {  	[dreg:$0x1] =	wrdreg $0xFFFFFFFF  }
0xae: {  	[dreg:$0x0] =	wrdreg $0x60  }
0xaf: {  	[dreg:$0x2] =	wrdreg s2  }
0xb0: {  	[dreg:$0x3] =	wrdreg s18  }
0xb1: {  	[dreg:$0x4] =	wrdreg s24  }
0xb2: {  	[dreg:$0x5] =	wrdreg $0x9  }
0xb3: {  	_ =	task.clear_ibuf [dreg:s8], $0x6FFFF;
	_ =	strace $0x90000046  }
0xb4: {  	s29 =	simm.s32 $0x9;
	_ =	strace $0x80000048  }
0xb5: {  	_ =	swait.ge [sflag:s29], $0x1  }
0xb6: {  	[sflag:s29] =	ssyncadd.s32 $0xFFFFFFFF  }
0xb7: {  	_ =	strace $0x90000048  }
0xb8: {  	_ =	sfence  }
0xb9: {  	s30 =	sld [smem:$0x0];
	_ =	sdelay $0x2  }
0xba: {  	s31 =	sshll.u32 s1, $0xD;
	s1 =	sshrl.u32 s1, $0x2  }
0xbb: {  	s3 =	sand.u32 $0x4000, s31;
	s1 =	sadd.s32 s1, s30  }
0xbc: {  	s0 =	sor.u32 s3, s0;
	s1 =	sshll.u32 s1, $0x11  }
0xbd: {  	s0 =	sor.u32 s1, s0  }
0xbe: {  	s0 =	sadd.s32 $0x8F2B, s0  }
0xbf: {  	[sflag:s0] =	ssyncadd.remote.s32 $0x1  }
0xc0: {  	_ =	sfence.sel $0xFFFF  }
0xc1: {  	[dreg:$0x0] =	wrdreg $0xFFFFFFFF;
	(pc) =	sbr.abs _section_cstart, $3  }
0xc2: {  	[dreg:$0x1] =	wrdreg $0xFFFFFFFF  }
0xc3: {  	_ =	task.clear_ibuf [dreg:s8], $0x2FFFF;
	_ =	strace $0x9FFFFFFF  }
0xc4: {  	(tm) =	ssettm $0x7FFFFFFF  }
0xc5: {  	_ =	shalt  }
tec
execute0_lowered:
.L_overlay_start_1:
0x0: {  	(tag) =	ssettag $0x1  }
0x1: {  	s4 =	rddreg [dreg:$0x0]  }
0x2: {  	s1 =	rddreg [dreg:$0x1]  }
0x3: {  	s5 =	rddreg [dreg:$0x2]  }
0x4: {  	s0 =	rddreg [dreg:$0x3];
	s6 =	srdreg.scid  }
0x5: {  	s3 =	simm.s32 $0x0;
	s2 =	stileid.u32;
	s6 =	sand.u32 $0x1, s6  }
0x6: {  	s10 =	simm.s32 $0x0;
	s7 =	sshll.u32 s2, $0xA;
	s8 =	sshll.u32 s6, $0x9  }
0x7: {  	[smem:$0x7FF] =	sst s3;
	s6 =	ssub.s32 $0x2, s6;
	s7 =	sor.u32 s8, s7  }
0x8: {  	_ =	strace $0x80000047;
	s9 =	sshrl.u32 s6, $0x1;
	s8 =	sshll.u32 s7, $0x2  }
0x9: {  	s7 =	sshrl.u32 s7, $0x3;
	s6 =	ssub.s32 s6, s9;
	s9 =	simm.s32 $0x1  }
0xa: {  	s5 =	sadd.s32 s8, s5;
	s4 =	sadd.s32 s4, s7;
	s6 =	smax.u32 s6, $0x1  }
0xb: {  	s7 =	simm.s32 $0x2;
	s8 =	simm.s32 $0x200;
	s5 =	sadd.s32 $0x5000, s5  }
.LBB2_1:
0xc: {  	[tilespmem:s3], [sflag:$0x2] =	stream.linear.gather [hbm4b:s4+s3], $0x200, $0x38;
	[tilespmem:$0x4200] =	vst v63  }
0xd: {  	_ =	swait.ge [sflag:s7], $0x200  }
0xe: {  	[sflag:s7] =	ssyncset.done $0x0  }
0xf: {  	s11 =	simm.s32 $0x0;
	s12 =	simm.s32 $0x40;
	[sflag:s7] =	ssyncadd.s32 $0xFFFFFE00  }
.LBB2_2:
0x10: {  	p0 =	sne.s32 s12, $0x7C0;
	v0 =	vld [tilespmem:s11+$0x0];
	_ =	sdelay $0x2  }
.Ltmp0:
0x11: {  	(pc) =	sbr.rel @p0 .LBB2_2-.Ltmp0, $4  }
0x12: {  	_ = 	snop  }
0x13: {  	vm0 =	vlt.u32 v0, $0x186A0;
	v0 =	vadd.s32 $0x1, v0  }
0x14: {  	v0 =	vnsel vm0, $0x0, v0  }
0x15: {  	[tilespmem:s11+$0x0] =	vst v0;
	s11 =	sshra.s32 s12, $0x2;
	s12 =	sadd.s32 $0x40, s12  }
0x16: {  	v0 =	vld [tilespmem:s11+$0x0];
	_ =	sdelay $0x4  }
0x17: {  	vm0 =	vlt.u32 v0, $0x186A0;
	v0 =	vadd.s32 $0x1, v0  }
0x18: {  	v0 =	vnsel vm0, $0x0, v0  }
0x19: {  	[tilespmem:s11+$0x0] =	vst v0  }
0x1a: {  	[tilespmem:s8], [sflag:$0x1] =	stream.indirect.gather [hbm4b:s1+s8], $0x20, s3, s8, $0xb8;
	[tilespmem:$0x4200] =	vst v63  }
0x1b: {  	s10 =	sadd.s32 $0x1, s10;
	_ =	swait.ge [sflag:s9], $0x4000  }
0x1c: {  	p0 =	sne.s32 s10, s6;
	[sflag:s9] =	ssyncset.done $0x0  }
.Ltmp1:
0x1d: {  	[sflag:s9] =	ssyncadd.s32 $0xFFFFC000;
	(pc) =	sbr.rel @p0 .LBB2_1-.Ltmp1, $4  }
0x1e: {  	[hbm4b:s5+s3] =	stream.linear.scatter [tilespmem:s8], [sflag:$0x2], $0x4000, $0x38;
	[tilespmem:$0x4200] =	vst v63  }
0x1f: {  	_ =	swait.ge [sflag:s7], $0x4000  }
0x20: {  	[sflag:s7] =	ssyncset.done $0x0  }
0x21: {  	[sflag:s7] =	ssyncadd.s32 $0xFFFFC000  }
0x22: {  	_ =	sfence.sel $0x180000  }
0x23: {  	[bflag:$0x0] =	sbarrier.arrive $0xFFFF  }
0x24: {  	p0 =	sne.s32 s2, $0x0;
	_ =	strace $0x90000047  }
0x25: {  	s0 =	sadd.s32 @!p0 $0x100000, s0;
	[bflag:$0x2] =	sbarrier.arrive $0xFFFF  }
0x26: {  	[sflag:s0] =	ssyncadd.tile.s32 @!p0 $0x1;
	_ =	shalt  }
.Lfunc_end2:
_tile_overlayer_lowered:
.L_overlay_start_2:
0x27: {  	(tag) =	ssettag $0x2  }
0x28: {  	s0 =	rddreg [dreg:$0x0];
	s2 =	stileid.u32  }
0x29: {  	s1 =	rddreg [dreg:$0x1];
	p0 =	sne.s32 s2, $0x0  }
0x2a: {  	s3 =	rddreg [dreg:$0x2];
	[bflag:$0x3] =	sbarrier.arrive $0xFFFF;
	s2 =	simm.s32 @!p0 $0x1C02  }
0x2b: {  	[timem:s3], [sflag:s2] =	dma.local @!p0 [hbm:s0], s1  }
0x2c: {  	s0 =	simm.s32 @!p0 $0x2  }
0x2d: {  	_ =	swait.ge @!p0 [sflag:s0], s1  }
0x2e: {  	s1 =	ssub.s32 @!p0 $0x0, s1;
	[sflag:s0] =	ssyncset.done @!p0 $0x0  }
0x2f: {  	[sflag:s0] =	ssyncadd.s32 @!p0 s1  }
0x30: {  	[bflag:$0x3] =	sbarrier.arrive $0xFFFF  }
0x31: {  	_ =	shalt  }

</sc_bundles>
